<compile_context>
chip_gen: v7x
topology: tpu7x:2x2x1
jax: 0.10.2.dev20260603
libtpu: 0.0.44.dev20260713+nightly
codegen_flags: <defaults>
</compile_context>

<pallas_src>
import functools

import jax
import jax.numpy as jnp
from jax import lax
from jax.experimental import pallas as pl
from jax.experimental.pallas import tpu as pltpu
from jax.experimental.pallas import tpu_sc as plsc

NC = 2
NS = 16
R = 8


@functools.lru_cache(maxsize=None)
def _make_kernel(B, S, V, D):
    NW = NC * NS
    rows_per_w = B // NW
    n_blocks = rows_per_w // R
    mesh = plsc.VectorSubcoreMesh(core_axis_name="c", subcore_axis_name="s")

    SP = (S + 7) // 8 * 8
    LP = 128

    @functools.partial(
        pl.kernel,
        out_type=jax.ShapeDtypeStruct((B, SP, LP), jnp.float32),
        mesh=mesh,
        scratch_types=[
            pltpu.VMEM((rows_per_w, S), jnp.int32),
            pltpu.VMEM((R, S, D), jnp.float32),
            pltpu.SemaphoreType.DMA((R,)),
        ],
        compiler_params=pltpu.CompilerParams(use_tc_tiling_on_sc=False),
    )
    def k(x_hbm, table_hbm, out_hbm, idx_v, rows_v, gsem):
        wid = lax.axis_index("s") * NC + lax.axis_index("c")
        row0 = wid * rows_per_w
        pltpu.sync_copy(x_hbm.at[pl.ds(row0, rows_per_w)], idx_v)

        def gather(j, b):
            return pltpu.make_async_copy(
                table_hbm.at[idx_v.at[j]], rows_v.at[b], gsem.at[b]
            )

        for b in range(R):
            gather(b, b).start()

        def block(o, carry):
            j0 = o * R
            for b in range(R):
                j = j0 + b
                gather(j, b).wait()
                pltpu.sync_copy(
                    rows_v.at[b],
                    out_hbm.at[row0 + j, pl.ds(0, S), pl.ds(0, D)],
                )
                gather(j + R, b).start()
            return carry

        lax.fori_loop(0, n_blocks - 1, block, 0)

        j0 = (n_blocks - 1) * R
        for b in range(R):
            j = j0 + b
            gather(j, b).wait()
            pltpu.sync_copy(
                rows_v.at[b],
                out_hbm.at[row0 + j, pl.ds(0, S), pl.ds(0, D)],
            )

    return k


def kernel(x, table):
    B, S = x.shape
    V, D = table.shape
    out_p = _make_kernel(B, S, V, D)(x.astype(jnp.int32), table)
    return lax.slice(out_p, (0, 0, 0), (B, S, D))

# --- scband reference (transcript-rebuilt; emitter-appended) ---
"""Pipeline reference for scband-embedding-12824772346447 (READ-ONLY COPY).

The authoritative reference and input builder live on the scoring server;
editing this copy changes nothing except your own understanding.
"""

import jax, jax.numpy as jnp
import numpy as np

TOTAL_LOCATIONS = 1000000
EMBEDDING_DIM = 32

def setup_inputs(seed: int = 0) -> dict:
    key = jax.random.key(seed)
    k1, k2 = jax.random.split(key)
    x = jax.random.randint(k1, (16384, 50), 0, TOTAL_LOCATIONS, dtype=jnp.int64 if jax.config.jax_enable_x64 else jnp.int32)
    table = jax.random.normal(k2, (TOTAL_LOCATIONS, EMBEDDING_DIM), dtype=jnp.float32)
    return {"x": x, "table": table}

def reference(x, table):
    # nn.Embedding forward: row gather from the embedding table
    return jnp.take(table, x, axis=0)

if __name__ == "__main__":
    import jax
    _d = setup_inputs()
    print(jax.jit(kernel)(*tuple(_d.values())))

</pallas_src>

<mosaic_0001>
#map = affine_map<(d0, d1) -> (0, 0)>
#map1 = affine_map<(d0, d1) -> (0, 0, 0)>
module attributes {stable_mosaic.version = 14 : i64} {
  func.func @k(%arg0: i32, %arg1: i32, %arg2: memref<16384x50xi32, #tpu.memory_space<hbm>>, %arg3: memref<1000000x32xf32, #tpu.memory_space<hbm>>, %arg4: memref<16384x56x128xf32, #tpu.memory_space<hbm>>, %arg5: memref<512x50xi32, #tpu.memory_space<vmem>>, %arg6: memref<8x50x32xf32, #tpu.memory_space<vmem>>, %arg7: memref<8x!tpu.dma_semaphore, #tpu.memory_space<semaphore_mem>>) attributes {dimension_semantics = [#tpu.dimension_semantics<core_parallel>, #tpu.dimension_semantics<subcore_parallel>], iteration_bounds = array<i64: 2, 16>, scalar_prefetch = 0 : i64, scratch_operands = 3 : i64, tpu.core_type = #tpu.core_type<sc_vector_subcore>, window_params = [{transform_indices = #map}, {transform_indices = #map}, {transform_indices = #map1}]} {
    %mul3A = arith.constant 2 : i32
    %mul3A_0 = arith.muli %arg1, %mul3A : i32
    %add3A = arith.addi %mul3A_0, %arg0 : i32
    %mul3A_1 = arith.constant 512 : i32
    %mul3A_2 = arith.muli %add3A, %mul3A_1 : i32
    "tpu.region"() ({
      %run_scoped3A_269 = tpu.sem_alloc : memref<!tpu.dma_semaphore, #tpu.memory_space<semaphore_mem>>
      %dma_start3A_270 = arith.constant 0 : i32
      %dma_start3A_271 = tpu.memref_slice %arg2[%mul3A_2, %dma_start3A_270] : memref<16384x50xi32, #tpu.memory_space<hbm>> -> memref<512x50xi32, #tpu.memory_space<hbm>>
      %dma_start3A_272 = arith.constant 0 : i32
      %dma_start3A_273 = tpu.memref_slice %arg2[%mul3A_2, %dma_start3A_272] : memref<16384x50xi32, #tpu.memory_space<hbm>> -> memref<512x50xi32, #tpu.memory_space<hbm>>
      tpu.enqueue_dma source(%dma_start3A_273 : memref<512x50xi32, #tpu.memory_space<hbm>>) target(%arg5 : memref<512x50xi32, #tpu.memory_space<vmem>>) target_semaphore(%run_scoped3A_269 : memref<!tpu.dma_semaphore, #tpu.memory_space<semaphore_mem>>)
      %dma_wait3A_274 = arith.constant 0 : i32
      %dma_wait3A_275 = tpu.memref_slice %arg2[%mul3A_2, %dma_wait3A_274] : memref<16384x50xi32, #tpu.memory_space<hbm>> -> memref<512x50xi32, #tpu.memory_space<hbm>>
      %dma_wait3A_276 = arith.constant 0 : i32
      %dma_wait3A_277 = tpu.memref_slice %arg2[%mul3A_2, %dma_wait3A_276] : memref<16384x50xi32, #tpu.memory_space<hbm>> -> memref<512x50xi32, #tpu.memory_space<hbm>>
      tpu.wait_dma2 semaphore(%run_scoped3A_269 : memref<!tpu.dma_semaphore, #tpu.memory_space<semaphore_mem>>) src(%dma_wait3A_277 : memref<512x50xi32, #tpu.memory_space<hbm>>) dst(%arg5 : memref<512x50xi32, #tpu.memory_space<vmem>>)
      tpu.yield
    }) : () -> ()
    %dma_start3A = arith.constant 0 : i32
    %dma_start3A_3 = arith.constant 0 : i32
    %dma_start3A_4 = arith.constant 0 : i32
    %dma_start3A_5 = arith.constant 0 : i32
    %dma_start3A_6 = arith.constant 0 : i32
    %dma_start3A_7 = tpu.memref_slice %arg6[%dma_start3A_3, %dma_start3A_5, %dma_start3A_6] : memref<8x50x32xf32, #tpu.memory_space<vmem>> -> memref<1x50x32xf32, #tpu.memory_space<vmem>>
    %dma_start3A_8 = tpu.memref_squeeze %dma_start3A_7 : memref<1x50x32xf32, #tpu.memory_space<vmem>> -> memref<50x32xf32, #tpu.memory_space<vmem>>
    %dma_start3A_9 = arith.constant 0 : i32
    %dma_start3A_10 = tpu.memref_slice %arg5[%dma_start3A, %dma_start3A_9] : memref<512x50xi32, #tpu.memory_space<vmem>> -> memref<1x50xi32, #tpu.memory_space<vmem>>
    %dma_start3A_11 = tpu.memref_squeeze %dma_start3A_10 : memref<1x50xi32, #tpu.memory_space<vmem>> -> memref<50xi32, #tpu.memory_space<vmem>>
    %dma_start3A_12 = arith.constant 0 : i32
    %dma_start3A_13 = arith.constant 0 : i32
    %dma_start3A_14 = tpu.memref_slice %arg3[%dma_start3A_12, %dma_start3A_13] : memref<1000000x32xf32, #tpu.memory_space<hbm>> -> memref<1000000x32xf32, #tpu.memory_space<hbm>>
    %dma_start3A_15 = tpu.memref_slice %arg7[%dma_start3A_4] : memref<8x!tpu.dma_semaphore, #tpu.memory_space<semaphore_mem>> -> memref<1x!tpu.dma_semaphore, #tpu.memory_space<semaphore_mem>>
    %dma_start3A_16 = tpu.memref_squeeze %dma_start3A_15 : memref<1x!tpu.dma_semaphore, #tpu.memory_space<semaphore_mem>> -> memref<!tpu.dma_semaphore, #tpu.memory_space<semaphore_mem>>
    tpu.enqueue_indirect_dma source(%dma_start3A_14 : memref<1000000x32xf32, #tpu.memory_space<hbm>>) target(%dma_start3A_8 : memref<50x32xf32, #tpu.memory_space<vmem>>) offsets(%dma_start3A_11 : memref<50xi32, #tpu.memory_space<vmem>>) semaphore(%dma_start3A_16 : memref<!tpu.dma_semaphore, #tpu.memory_space<semaphore_mem>>)
    %dma_start3A_17 = arith.constant 1 : i32
    %dma_start3A_18 = arith.constant 1 : i32
    %dma_start3A_19 = arith.constant 1 : i32
    %dma_start3A_20 = arith.constant 0 : i32
    %dma_start3A_21 = arith.constant 0 : i32
    %dma_start3A_22 = tpu.memref_slice %arg6[%dma_start3A_18, %dma_start3A_20, %dma_start3A_21] : memref<8x50x32xf32, #tpu.memory_space<vmem>> -> memref<1x50x32xf32, #tpu.memory_space<vmem>>
    %dma_start3A_23 = tpu.memref_squeeze %dma_start3A_22 : memref<1x50x32xf32, #tpu.memory_space<vmem>> -> memref<50x32xf32, #tpu.memory_space<vmem>>
    %dma_start3A_24 = arith.constant 0 : i32
    %dma_start3A_25 = tpu.memref_slice %arg5[%dma_start3A_17, %dma_start3A_24] : memref<512x50xi32, #tpu.memory_space<vmem>> -> memref<1x50xi32, #tpu.memory_space<vmem>>
    %dma_start3A_26 = tpu.memref_squeeze %dma_start3A_25 : memref<1x50xi32, #tpu.memory_space<vmem>> -> memref<50xi32, #tpu.memory_space<vmem>>
    %dma_start3A_27 = arith.constant 0 : i32
    %dma_start3A_28 = arith.constant 0 : i32
    %dma_start3A_29 = tpu.memref_slice %arg3[%dma_start3A_27, %dma_start3A_28] : memref<1000000x32xf32, #tpu.memory_space<hbm>> -> memref<1000000x32xf32, #tpu.memory_space<hbm>>
    %dma_start3A_30 = tpu.memref_slice %arg7[%dma_start3A_19] : memref<8x!tpu.dma_semaphore, #tpu.memory_space<semaphore_mem>> -> memref<1x!tpu.dma_semaphore, #tpu.memory_space<semaphore_mem>>
    %dma_start3A_31 = tpu.memref_squeeze %dma_start3A_30 : memref<1x!tpu.dma_semaphore, #tpu.memory_space<semaphore_mem>> -> memref<!tpu.dma_semaphore, #tpu.memory_space<semaphore_mem>>
    tpu.enqueue_indirect_dma source(%dma_start3A_29 : memref<1000000x32xf32, #tpu.memory_space<hbm>>) target(%dma_start3A_23 : memref<50x32xf32, #tpu.memory_space<vmem>>) offsets(%dma_start3A_26 : memref<50xi32, #tpu.memory_space<vmem>>) semaphore(%dma_start3A_31 : memref<!tpu.dma_semaphore, #tpu.memory_space<semaphore_mem>>)
    %dma_start3A_32 = arith.constant 2 : i32
    %dma_start3A_33 = arith.constant 2 : i32
    %dma_start3A_34 = arith.constant 2 : i32
    %dma_start3A_35 = arith.constant 0 : i32
    %dma_start3A_36 = arith.constant 0 : i32
    %dma_start3A_37 = tpu.memref_slice %arg6[%dma_start3A_33, %dma_start3A_35, %dma_start3A_36] : memref<8x50x32xf32, #tpu.memory_space<vmem>> -> memref<1x50x32xf32, #tpu.memory_space<vmem>>
    %dma_start3A_38 = tpu.memref_squeeze %dma_start3A_37 : memref<1x50x32xf32, #tpu.memory_space<vmem>> -> memref<50x32xf32, #tpu.memory_space<vmem>>
    %dma_start3A_39 = arith.constant 0 : i32
    %dma_start3A_40 = tpu.memref_slice %arg5[%dma_start3A_32, %dma_start3A_39] : memref<512x50xi32, #tpu.memory_space<vmem>> -> memref<1x50xi32, #tpu.memory_space<vmem>>
    %dma_start3A_41 = tpu.memref_squeeze %dma_start3A_40 : memref<1x50xi32, #tpu.memory_space<vmem>> -> memref<50xi32, #tpu.memory_space<vmem>>
    %dma_start3A_42 = arith.constant 0 : i32
    %dma_start3A_43 = arith.constant 0 : i32
    %dma_start3A_44 = tpu.memref_slice %arg3[%dma_start3A_42, %dma_start3A_43] : memref<1000000x32xf32, #tpu.memory_space<hbm>> -> memref<1000000x32xf32, #tpu.memory_space<hbm>>
    %dma_start3A_45 = tpu.memref_slice %arg7[%dma_start3A_34] : memref<8x!tpu.dma_semaphore, #tpu.memory_space<semaphore_mem>> -> memref<1x!tpu.dma_semaphore, #tpu.memory_space<semaphore_mem>>
    %dma_start3A_46 = tpu.memref_squeeze %dma_start3A_45 : memref<1x!tpu.dma_semaphore, #tpu.memory_space<semaphore_mem>> -> memref<!tpu.dma_semaphore, #tpu.memory_space<semaphore_mem>>
    tpu.enqueue_indirect_dma source(%dma_start3A_44 : memref<1000000x32xf32, #tpu.memory_space<hbm>>) target(%dma_start3A_38 : memref<50x32xf32, #tpu.memory_space<vmem>>) offsets(%dma_start3A_41 : memref<50xi32, #tpu.memory_space<vmem>>) semaphore(%dma_start3A_46 : memref<!tpu.dma_semaphore, #tpu.memory_space<semaphore_mem>>)
    %dma_start3A_47 = arith.constant 3 : i32
    %dma_start3A_48 = arith.constant 3 : i32
    %dma_start3A_49 = arith.constant 3 : i32
    %dma_start3A_50 = arith.constant 0 : i32
    %dma_start3A_51 = arith.constant 0 : i32
    %dma_start3A_52 = tpu.memref_slice %arg6[%dma_start3A_48, %dma_start3A_50, %dma_start3A_51] : memref<8x50x32xf32, #tpu.memory_space<vmem>> -> memref<1x50x32xf32, #tpu.memory_space<vmem>>
    %dma_start3A_53 = tpu.memref_squeeze %dma_start3A_52 : memref<1x50x32xf32, #tpu.memory_space<vmem>> -> memref<50x32xf32, #tpu.memory_space<vmem>>
    %dma_start3A_54 = arith.constant 0 : i32
    %dma_start3A_55 = tpu.memref_slice %arg5[%dma_start3A_47, %dma_start3A_54] : memref<512x50xi32, #tpu.memory_space<vmem>> -> memref<1x50xi32, #tpu.memory_space<vmem>>
    %dma_start3A_56 = tpu.memref_squeeze %dma_start3A_55 : memref<1x50xi32, #tpu.memory_space<vmem>> -> memref<50xi32, #tpu.memory_space<vmem>>
    %dma_start3A_57 = arith.constant 0 : i32
    %dma_start3A_58 = arith.constant 0 : i32
    %dma_start3A_59 = tpu.memref_slice %arg3[%dma_start3A_57, %dma_start3A_58] : memref<1000000x32xf32, #tpu.memory_space<hbm>> -> memref<1000000x32xf32, #tpu.memory_space<hbm>>
    %dma_start3A_60 = tpu.memref_slice %arg7[%dma_start3A_49] : memref<8x!tpu.dma_semaphore, #tpu.memory_space<semaphore_mem>> -> memref<1x!tpu.dma_semaphore, #tpu.memory_space<semaphore_mem>>
    %dma_start3A_61 = tpu.memref_squeeze %dma_start3A_60 : memref<1x!tpu.dma_semaphore, #tpu.memory_space<semaphore_mem>> -> memref<!tpu.dma_semaphore, #tpu.memory_space<semaphore_mem>>
    tpu.enqueue_indirect_dma source(%dma_start3A_59 : memref<1000000x32xf32, #tpu.memory_space<hbm>>) target(%dma_start3A_53 : memref<50x32xf32, #tpu.memory_space<vmem>>) offsets(%dma_start3A_56 : memref<50xi32, #tpu.memory_space<vmem>>) semaphore(%dma_start3A_61 : memref<!tpu.dma_semaphore, #tpu.memory_space<semaphore_mem>>)
    %dma_start3A_62 = arith.constant 4 : i32
    %dma_start3A_63 = arith.constant 4 : i32
    %dma_start3A_64 = arith.constant 4 : i32
    %dma_start3A_65 = arith.constant 0 : i32
    %dma_start3A_66 = arith.constant 0 : i32
    %dma_start3A_67 = tpu.memref_slice %arg6[%dma_start3A_63, %dma_start3A_65, %dma_start3A_66] : memref<8x50x32xf32, #tpu.memory_space<vmem>> -> memref<1x50x32xf32, #tpu.memory_space<vmem>>
    %dma_start3A_68 = tpu.memref_squeeze %dma_start3A_67 : memref<1x50x32xf32, #tpu.memory_space<vmem>> -> memref<50x32xf32, #tpu.memory_space<vmem>>
    %dma_start3A_69 = arith.constant 0 : i32
    %dma_start3A_70 = tpu.memref_slice %arg5[%dma_start3A_62, %dma_start3A_69] : memref<512x50xi32, #tpu.memory_space<vmem>> -> memref<1x50xi32, #tpu.memory_space<vmem>>
    %dma_start3A_71 = tpu.memref_squeeze %dma_start3A_70 : memref<1x50xi32, #tpu.memory_space<vmem>> -> memref<50xi32, #tpu.memory_space<vmem>>
    %dma_start3A_72 = arith.constant 0 : i32
    %dma_start3A_73 = arith.constant 0 : i32
    %dma_start3A_74 = tpu.memref_slice %arg3[%dma_start3A_72, %dma_start3A_73] : memref<1000000x32xf32, #tpu.memory_space<hbm>> -> memref<1000000x32xf32, #tpu.memory_space<hbm>>
    %dma_start3A_75 = tpu.memref_slice %arg7[%dma_start3A_64] : memref<8x!tpu.dma_semaphore, #tpu.memory_space<semaphore_mem>> -> memref<1x!tpu.dma_semaphore, #tpu.memory_space<semaphore_mem>>
    %dma_start3A_76 = tpu.memref_squeeze %dma_start3A_75 : memref<1x!tpu.dma_semaphore, #tpu.memory_space<semaphore_mem>> -> memref<!tpu.dma_semaphore, #tpu.memory_space<semaphore_mem>>
    tpu.enqueue_indirect_dma source(%dma_start3A_74 : memref<1000000x32xf32, #tpu.memory_space<hbm>>) target(%dma_start3A_68 : memref<50x32xf32, #tpu.memory_space<vmem>>) offsets(%dma_start3A_71 : memref<50xi32, #tpu.memory_space<vmem>>) semaphore(%dma_start3A_76 : memref<!tpu.dma_semaphore, #tpu.memory_space<semaphore_mem>>)
    %dma_start3A_77 = arith.constant 5 : i32
    %dma_start3A_78 = arith.constant 5 : i32
    %dma_start3A_79 = arith.constant 5 : i32
    %dma_start3A_80 = arith.constant 0 : i32
    %dma_start3A_81 = arith.constant 0 : i32
    %dma_start3A_82 = tpu.memref_slice %arg6[%dma_start3A_78, %dma_start3A_80, %dma_start3A_81] : memref<8x50x32xf32, #tpu.memory_space<vmem>> -> memref<1x50x32xf32, #tpu.memory_space<vmem>>
    %dma_start3A_83 = tpu.memref_squeeze %dma_start3A_82 : memref<1x50x32xf32, #tpu.memory_space<vmem>> -> memref<50x32xf32, #tpu.memory_space<vmem>>
    %dma_start3A_84 = arith.constant 0 : i32
    %dma_start3A_85 = tpu.memref_slice %arg5[%dma_start3A_77, %dma_start3A_84] : memref<512x50xi32, #tpu.memory_space<vmem>> -> memref<1x50xi32, #tpu.memory_space<vmem>>
    %dma_start3A_86 = tpu.memref_squeeze %dma_start3A_85 : memref<1x50xi32, #tpu.memory_space<vmem>> -> memref<50xi32, #tpu.memory_space<vmem>>
    %dma_start3A_87 = arith.constant 0 : i32
    %dma_start3A_88 = arith.constant 0 : i32
    %dma_start3A_89 = tpu.memref_slice %arg3[%dma_start3A_87, %dma_start3A_88] : memref<1000000x32xf32, #tpu.memory_space<hbm>> -> memref<1000000x32xf32, #tpu.memory_space<hbm>>
    %dma_start3A_90 = tpu.memref_slice %arg7[%dma_start3A_79] : memref<8x!tpu.dma_semaphore, #tpu.memory_space<semaphore_mem>> -> memref<1x!tpu.dma_semaphore, #tpu.memory_space<semaphore_mem>>
    %dma_start3A_91 = tpu.memref_squeeze %dma_start3A_90 : memref<1x!tpu.dma_semaphore, #tpu.memory_space<semaphore_mem>> -> memref<!tpu.dma_semaphore, #tpu.memory_space<semaphore_mem>>
    tpu.enqueue_indirect_dma source(%dma_start3A_89 : memref<1000000x32xf32, #tpu.memory_space<hbm>>) target(%dma_start3A_83 : memref<50x32xf32, #tpu.memory_space<vmem>>) offsets(%dma_start3A_86 : memref<50xi32, #tpu.memory_space<vmem>>) semaphore(%dma_start3A_91 : memref<!tpu.dma_semaphore, #tpu.memory_space<semaphore_mem>>)
    %dma_start3A_92 = arith.constant 6 : i32
    %dma_start3A_93 = arith.constant 6 : i32
    %dma_start3A_94 = arith.constant 6 : i32
    %dma_start3A_95 = arith.constant 0 : i32
    %dma_start3A_96 = arith.constant 0 : i32
    %dma_start3A_97 = tpu.memref_slice %arg6[%dma_start3A_93, %dma_start3A_95, %dma_start3A_96] : memref<8x50x32xf32, #tpu.memory_space<vmem>> -> memref<1x50x32xf32, #tpu.memory_space<vmem>>
    %dma_start3A_98 = tpu.memref_squeeze %dma_start3A_97 : memref<1x50x32xf32, #tpu.memory_space<vmem>> -> memref<50x32xf32, #tpu.memory_space<vmem>>
    %dma_start3A_99 = arith.constant 0 : i32
    %dma_start3A_100 = tpu.memref_slice %arg5[%dma_start3A_92, %dma_start3A_99] : memref<512x50xi32, #tpu.memory_space<vmem>> -> memref<1x50xi32, #tpu.memory_space<vmem>>
    %dma_start3A_101 = tpu.memref_squeeze %dma_start3A_100 : memref<1x50xi32, #tpu.memory_space<vmem>> -> memref<50xi32, #tpu.memory_space<vmem>>
    %dma_start3A_102 = arith.constant 0 : i32
    %dma_start3A_103 = arith.constant 0 : i32
    %dma_start3A_104 = tpu.memref_slice %arg3[%dma_start3A_102, %dma_start3A_103] : memref<1000000x32xf32, #tpu.memory_space<hbm>> -> memref<1000000x32xf32, #tpu.memory_space<hbm>>
    %dma_start3A_105 = tpu.memref_slice %arg7[%dma_start3A_94] : memref<8x!tpu.dma_semaphore, #tpu.memory_space<semaphore_mem>> -> memref<1x!tpu.dma_semaphore, #tpu.memory_space<semaphore_mem>>
    %dma_start3A_106 = tpu.memref_squeeze %dma_start3A_105 : memref<1x!tpu.dma_semaphore, #tpu.memory_space<semaphore_mem>> -> memref<!tpu.dma_semaphore, #tpu.memory_space<semaphore_mem>>
    tpu.enqueue_indirect_dma source(%dma_start3A_104 : memref<1000000x32xf32, #tpu.memory_space<hbm>>) target(%dma_start3A_98 : memref<50x32xf32, #tpu.memory_space<vmem>>) offsets(%dma_start3A_101 : memref<50xi32, #tpu.memory_space<vmem>>) semaphore(%dma_start3A_106 : memref<!tpu.dma_semaphore, #tpu.memory_space<semaphore_mem>>)
    %dma_start3A_107 = arith.constant 7 : i32
    %dma_start3A_108 = arith.constant 7 : i32
    %dma_start3A_109 = arith.constant 7 : i32
    %dma_start3A_110 = arith.constant 0 : i32
    %dma_start3A_111 = arith.constant 0 : i32
    %dma_start3A_112 = tpu.memref_slice %arg6[%dma_start3A_108, %dma_start3A_110, %dma_start3A_111] : memref<8x50x32xf32, #tpu.memory_space<vmem>> -> memref<1x50x32xf32, #tpu.memory_space<vmem>>
    %dma_start3A_113 = tpu.memref_squeeze %dma_start3A_112 : memref<1x50x32xf32, #tpu.memory_space<vmem>> -> memref<50x32xf32, #tpu.memory_space<vmem>>
    %dma_start3A_114 = arith.constant 0 : i32
    %dma_start3A_115 = tpu.memref_slice %arg5[%dma_start3A_107, %dma_start3A_114] : memref<512x50xi32, #tpu.memory_space<vmem>> -> memref<1x50xi32, #tpu.memory_space<vmem>>
    %dma_start3A_116 = tpu.memref_squeeze %dma_start3A_115 : memref<1x50xi32, #tpu.memory_space<vmem>> -> memref<50xi32, #tpu.memory_space<vmem>>
    %dma_start3A_117 = arith.constant 0 : i32
    %dma_start3A_118 = arith.constant 0 : i32
    %dma_start3A_119 = tpu.memref_slice %arg3[%dma_start3A_117, %dma_start3A_118] : memref<1000000x32xf32, #tpu.memory_space<hbm>> -> memref<1000000x32xf32, #tpu.memory_space<hbm>>
    %dma_start3A_120 = tpu.memref_slice %arg7[%dma_start3A_109] : memref<8x!tpu.dma_semaphore, #tpu.memory_space<semaphore_mem>> -> memref<1x!tpu.dma_semaphore, #tpu.memory_space<semaphore_mem>>
    %dma_start3A_121 = tpu.memref_squeeze %dma_start3A_120 : memref<1x!tpu.dma_semaphore, #tpu.memory_space<semaphore_mem>> -> memref<!tpu.dma_semaphore, #tpu.memory_space<semaphore_mem>>
    tpu.enqueue_indirect_dma source(%dma_start3A_119 : memref<1000000x32xf32, #tpu.memory_space<hbm>>) target(%dma_start3A_113 : memref<50x32xf32, #tpu.memory_space<vmem>>) offsets(%dma_start3A_116 : memref<50xi32, #tpu.memory_space<vmem>>) semaphore(%dma_start3A_121 : memref<!tpu.dma_semaphore, #tpu.memory_space<semaphore_mem>>)
    %scan3A = arith.constant 0 : i32
    %scan3A_122 = arith.constant 0 : i32
    %scan3A_123 = arith.constant 63 : i32
    %scan3A_124 = arith.addi %scan3A_122, %scan3A_123 : i32
    %scan3A_125 = arith.constant 1 : i32
    scf.for %scan3A_269 = %scan3A_122 to %scan3A_124 step %scan3A_125  : i32 {
      %mul3A_270 = arith.constant 8 : i32
      %mul3A_271 = arith.muli %scan3A_269, %mul3A_270 : i32
      %add3A_272 = arith.constant 0 : i32
      %add3A_273 = arith.addi %mul3A_271, %add3A_272 : i32
      %dma_wait3A_274 = arith.constant 0 : i32
      %dma_wait3A_275 = arith.constant 0 : i32
      %dma_wait3A_276 = arith.constant 0 : i32
      %dma_wait3A_277 = arith.constant 0 : i32
      %dma_wait3A_278 = tpu.memref_slice %arg6[%dma_wait3A_274, %dma_wait3A_276, %dma_wait3A_277] : memref<8x50x32xf32, #tpu.memory_space<vmem>> -> memref<1x50x32xf32, #tpu.memory_space<vmem>>
      %dma_wait3A_279 = tpu.memref_squeeze %dma_wait3A_278 : memref<1x50x32xf32, #tpu.memory_space<vmem>> -> memref<50x32xf32, #tpu.memory_space<vmem>>
      %dma_wait3A_280 = arith.constant 0 : i32
      %dma_wait3A_281 = tpu.memref_slice %arg5[%add3A_273, %dma_wait3A_280] : memref<512x50xi32, #tpu.memory_space<vmem>> -> memref<1x50xi32, #tpu.memory_space<vmem>>
      %dma_wait3A_282 = tpu.memref_squeeze %dma_wait3A_281 : memref<1x50xi32, #tpu.memory_space<vmem>> -> memref<50xi32, #tpu.memory_space<vmem>>
      %dma_wait3A_283 = arith.constant 0 : i32
      %dma_wait3A_284 = arith.constant 0 : i32
      %dma_wait3A_285 = tpu.memref_slice %arg3[%dma_wait3A_283, %dma_wait3A_284] : memref<1000000x32xf32, #tpu.memory_space<hbm>> -> memref<1000000x32xf32, #tpu.memory_space<hbm>>
      %dma_wait3A_286 = tpu.memref_slice %arg7[%dma_wait3A_275] : memref<8x!tpu.dma_semaphore, #tpu.memory_space<semaphore_mem>> -> memref<1x!tpu.dma_semaphore, #tpu.memory_space<semaphore_mem>>
      %dma_wait3A_287 = tpu.memref_squeeze %dma_wait3A_286 : memref<1x!tpu.dma_semaphore, #tpu.memory_space<semaphore_mem>> -> memref<!tpu.dma_semaphore, #tpu.memory_space<semaphore_mem>>
      tpu.wait_indirect_dma semaphore(%dma_wait3A_287 : memref<!tpu.dma_semaphore, #tpu.memory_space<semaphore_mem>>) src(%dma_wait3A_285 : memref<1000000x32xf32, #tpu.memory_space<hbm>>) dst(%dma_wait3A_279 : memref<50x32xf32, #tpu.memory_space<vmem>>)
      %add3A_288 = arith.addi %mul3A_2, %add3A_273 : i32
      %run_scoped3A_289 = arith.constant 0 : i32
      "tpu.region"() ({
        %run_scoped3A_544 = tpu.sem_alloc : memref<!tpu.dma_semaphore, #tpu.memory_space<semaphore_mem>>
        %dma_start3A_545 = arith.constant 0 : i32
        %dma_start3A_546 = arith.constant 0 : i32
        %dma_start3A_547 = tpu.memref_slice %arg6[%run_scoped3A_289, %dma_start3A_545, %dma_start3A_546] : memref<8x50x32xf32, #tpu.memory_space<vmem>> -> memref<1x50x32xf32, #tpu.memory_space<vmem>>
        %dma_start3A_548 = tpu.memref_squeeze %dma_start3A_547 : memref<1x50x32xf32, #tpu.memory_space<vmem>> -> memref<50x32xf32, #tpu.memory_space<vmem>>
        %dma_start3A_549 = arith.constant 0 : i32
        %dma_start3A_550 = arith.constant 0 : i32
        %dma_start3A_551 = tpu.memref_slice %arg4[%add3A_288, %dma_start3A_549, %dma_start3A_550] : memref<16384x56x128xf32, #tpu.memory_space<hbm>> -> memref<1x50x32xf32, #tpu.memory_space<hbm>>
        %dma_start3A_552 = tpu.memref_squeeze %dma_start3A_551 : memref<1x50x32xf32, #tpu.memory_space<hbm>> -> memref<50x32xf32, #tpu.memory_space<hbm>>
        %dma_start3A_553 = arith.constant 0 : i32
        %dma_start3A_554 = arith.constant 0 : i32
        %dma_start3A_555 = tpu.memref_slice %arg4[%add3A_288, %dma_start3A_553, %dma_start3A_554] : memref<16384x56x128xf32, #tpu.memory_space<hbm>> -> memref<1x50x32xf32, #tpu.memory_space<hbm>>
        %dma_start3A_556 = tpu.memref_squeeze %dma_start3A_555 : memref<1x50x32xf32, #tpu.memory_space<hbm>> -> memref<50x32xf32, #tpu.memory_space<hbm>>
        %dma_start3A_557 = arith.constant 0 : i32
        %dma_start3A_558 = arith.constant 0 : i32
        %dma_start3A_559 = tpu.memref_slice %arg6[%run_scoped3A_289, %dma_start3A_557, %dma_start3A_558] : memref<8x50x32xf32, #tpu.memory_space<vmem>> -> memref<1x50x32xf32, #tpu.memory_space<vmem>>
        %dma_start3A_560 = tpu.memref_squeeze %dma_start3A_559 : memref<1x50x32xf32, #tpu.memory_space<vmem>> -> memref<50x32xf32, #tpu.memory_space<vmem>>
        tpu.enqueue_dma source(%dma_start3A_560 : memref<50x32xf32, #tpu.memory_space<vmem>>) target(%dma_start3A_556 : memref<50x32xf32, #tpu.memory_space<hbm>>) target_semaphore(%run_scoped3A_544 : memref<!tpu.dma_semaphore, #tpu.memory_space<semaphore_mem>>)
        %dma_wait3A_561 = arith.constant 0 : i32
        %dma_wait3A_562 = arith.constant 0 : i32
        %dma_wait3A_563 = tpu.memref_slice %arg6[%run_scoped3A_289, %dma_wait3A_561, %dma_wait3A_562] : memref<8x50x32xf32, #tpu.memory_space<vmem>> -> memref<1x50x32xf32, #tpu.memory_space<vmem>>
        %dma_wait3A_564 = tpu.memref_squeeze %dma_wait3A_563 : memref<1x50x32xf32, #tpu.memory_space<vmem>> -> memref<50x32xf32, #tpu.memory_space<vmem>>
        %dma_wait3A_565 = arith.constant 0 : i32
        %dma_wait3A_566 = arith.constant 0 : i32
        %dma_wait3A_567 = tpu.memref_slice %arg4[%add3A_288, %dma_wait3A_565, %dma_wait3A_566] : memref<16384x56x128xf32, #tpu.memory_space<hbm>> -> memref<1x50x32xf32, #tpu.memory_space<hbm>>
        %dma_wait3A_568 = tpu.memref_squeeze %dma_wait3A_567 : memref<1x50x32xf32, #tpu.memory_space<hbm>> -> memref<50x32xf32, #tpu.memory_space<hbm>>
        %dma_wait3A_569 = arith.constant 0 : i32
        %dma_wait3A_570 = arith.constant 0 : i32
        %dma_wait3A_571 = tpu.memref_slice %arg4[%add3A_288, %dma_wait3A_569, %dma_wait3A_570] : memref<16384x56x128xf32, #tpu.memory_space<hbm>> -> memref<1x50x32xf32, #tpu.memory_space<hbm>>
        %dma_wait3A_572 = tpu.memref_squeeze %dma_wait3A_571 : memref<1x50x32xf32, #tpu.memory_space<hbm>> -> memref<50x32xf32, #tpu.memory_space<hbm>>
        %dma_wait3A_573 = arith.constant 0 : i32
        %dma_wait3A_574 = arith.constant 0 : i32
        %dma_wait3A_575 = tpu.memref_slice %arg6[%run_scoped3A_289, %dma_wait3A_573, %dma_wait3A_574] : memref<8x50x32xf32, #tpu.memory_space<vmem>> -> memref<1x50x32xf32, #tpu.memory_space<vmem>>
        %dma_wait3A_576 = tpu.memref_squeeze %dma_wait3A_575 : memref<1x50x32xf32, #tpu.memory_space<vmem>> -> memref<50x32xf32, #tpu.memory_space<vmem>>
        tpu.wait_dma2 semaphore(%run_scoped3A_544 : memref<!tpu.dma_semaphore, #tpu.memory_space<semaphore_mem>>) src(%dma_wait3A_576 : memref<50x32xf32, #tpu.memory_space<vmem>>) dst(%dma_wait3A_572 : memref<50x32xf32, #tpu.memory_space<hbm>>)
        tpu.yield
      }) : () -> ()
      %add3A_290 = arith.constant 8 : i32
      %add3A_291 = arith.addi %add3A_273, %add3A_290 : i32
      %dma_start3A_292 = arith.constant 0 : i32
      %dma_start3A_293 = arith.constant 0 : i32
      %dma_start3A_294 = arith.constant 0 : i32
      %dma_start3A_295 = arith.constant 0 : i32
      %dma_start3A_296 = tpu.memref_slice %arg6[%dma_start3A_292, %dma_start3A_294, %dma_start3A_295] : memref<8x50x32xf32, #tpu.memory_space<vmem>> -> memref<1x50x32xf32, #tpu.memory_space<vmem>>
      %dma_start3A_297 = tpu.memref_squeeze %dma_start3A_296 : memref<1x50x32xf32, #tpu.memory_space<vmem>> -> memref<50x32xf32, #tpu.memory_space<vmem>>
      %dma_start3A_298 = arith.constant 0 : i32
      %dma_start3A_299 = tpu.memref_slice %arg5[%add3A_291, %dma_start3A_298] : memref<512x50xi32, #tpu.memory_space<vmem>> -> memref<1x50xi32, #tpu.memory_space<vmem>>
      %dma_start3A_300 = tpu.memref_squeeze %dma_start3A_299 : memref<1x50xi32, #tpu.memory_space<vmem>> -> memref<50xi32, #tpu.memory_space<vmem>>
      %dma_start3A_301 = arith.constant 0 : i32
      %dma_start3A_302 = arith.constant 0 : i32
      %dma_start3A_303 = tpu.memref_slice %arg3[%dma_start3A_301, %dma_start3A_302] : memref<1000000x32xf32, #tpu.memory_space<hbm>> -> memref<1000000x32xf32, #tpu.memory_space<hbm>>
      %dma_start3A_304 = tpu.memref_slice %arg7[%dma_start3A_293] : memref<8x!tpu.dma_semaphore, #tpu.memory_space<semaphore_mem>> -> memref<1x!tpu.dma_semaphore, #tpu.memory_space<semaphore_mem>>
      %dma_start3A_305 = tpu.memref_squeeze %dma_start3A_304 : memref<1x!tpu.dma_semaphore, #tpu.memory_space<semaphore_mem>> -> memref<!tpu.dma_semaphore, #tpu.memory_space<semaphore_mem>>
      tpu.enqueue_indirect_dma source(%dma_start3A_303 : memref<1000000x32xf32, #tpu.memory_space<hbm>>) target(%dma_start3A_297 : memref<50x32xf32, #tpu.memory_space<vmem>>) offsets(%dma_start3A_300 : memref<50xi32, #tpu.memory_space<vmem>>) semaphore(%dma_start3A_305 : memref<!tpu.dma_semaphore, #tpu.memory_space<semaphore_mem>>)
      %add3A_306 = arith.constant 1 : i32
      %add3A_307 = arith.addi %mul3A_271, %add3A_306 : i32
      %dma_wait3A_308 = arith.constant 1 : i32
      %dma_wait3A_309 = arith.constant 1 : i32
      %dma_wait3A_310 = arith.constant 0 : i32
      %dma_wait3A_311 = arith.constant 0 : i32
      %dma_wait3A_312 = tpu.memref_slice %arg6[%dma_wait3A_308, %dma_wait3A_310, %dma_wait3A_311] : memref<8x50x32xf32, #tpu.memory_space<vmem>> -> memref<1x50x32xf32, #tpu.memory_space<vmem>>
      %dma_wait3A_313 = tpu.memref_squeeze %dma_wait3A_312 : memref<1x50x32xf32, #tpu.memory_space<vmem>> -> memref<50x32xf32, #tpu.memory_space<vmem>>
      %dma_wait3A_314 = arith.constant 0 : i32
      %dma_wait3A_315 = tpu.memref_slice %arg5[%add3A_307, %dma_wait3A_314] : memref<512x50xi32, #tpu.memory_space<vmem>> -> memref<1x50xi32, #tpu.memory_space<vmem>>
      %dma_wait3A_316 = tpu.memref_squeeze %dma_wait3A_315 : memref<1x50xi32, #tpu.memory_space<vmem>> -> memref<50xi32, #tpu.memory_space<vmem>>
      %dma_wait3A_317 = arith.constant 0 : i32
      %dma_wait3A_318 = arith.constant 0 : i32
      %dma_wait3A_319 = tpu.memref_slice %arg3[%dma_wait3A_317, %dma_wait3A_318] : memref<1000000x32xf32, #tpu.memory_space<hbm>> -> memref<1000000x32xf32, #tpu.memory_space<hbm>>
      %dma_wait3A_320 = tpu.memref_slice %arg7[%dma_wait3A_309] : memref<8x!tpu.dma_semaphore, #tpu.memory_space<semaphore_mem>> -> memref<1x!tpu.dma_semaphore, #tpu.memory_space<semaphore_mem>>
      %dma_wait3A_321 = tpu.memref_squeeze %dma_wait3A_320 : memref<1x!tpu.dma_semaphore, #tpu.memory_space<semaphore_mem>> -> memref<!tpu.dma_semaphore, #tpu.memory_space<semaphore_mem>>
      tpu.wait_indirect_dma semaphore(%dma_wait3A_321 : memref<!tpu.dma_semaphore, #tpu.memory_space<semaphore_mem>>) src(%dma_wait3A_319 : memref<1000000x32xf32, #tpu.memory_space<hbm>>) dst(%dma_wait3A_313 : memref<50x32xf32, #tpu.memory_space<vmem>>)
      %add3A_322 = arith.addi %mul3A_2, %add3A_307 : i32
      %run_scoped3A_323 = arith.constant 1 : i32
      "tpu.region"() ({
        %run_scoped3A_544 = tpu.sem_alloc : memref<!tpu.dma_semaphore, #tpu.memory_space<semaphore_mem>>
        %dma_start3A_545 = arith.constant 0 : i32
        %dma_start3A_546 = arith.constant 0 : i32
        %dma_start3A_547 = tpu.memref_slice %arg6[%run_scoped3A_323, %dma_start3A_545, %dma_start3A_546] : memref<8x50x32xf32, #tpu.memory_space<vmem>> -> memref<1x50x32xf32, #tpu.memory_space<vmem>>
        %dma_start3A_548 = tpu.memref_squeeze %dma_start3A_547 : memref<1x50x32xf32, #tpu.memory_space<vmem>> -> memref<50x32xf32, #tpu.memory_space<vmem>>
        %dma_start3A_549 = arith.constant 0 : i32
        %dma_start3A_550 = arith.constant 0 : i32
        %dma_start3A_551 = tpu.memref_slice %arg4[%add3A_322, %dma_start3A_549, %dma_start3A_550] : memref<16384x56x128xf32, #tpu.memory_space<hbm>> -> memref<1x50x32xf32, #tpu.memory_space<hbm>>
        %dma_start3A_552 = tpu.memref_squeeze %dma_start3A_551 : memref<1x50x32xf32, #tpu.memory_space<hbm>> -> memref<50x32xf32, #tpu.memory_space<hbm>>
        %dma_start3A_553 = arith.constant 0 : i32
        %dma_start3A_554 = arith.constant 0 : i32
        %dma_start3A_555 = tpu.memref_slice %arg4[%add3A_322, %dma_start3A_553, %dma_start3A_554] : memref<16384x56x128xf32, #tpu.memory_space<hbm>> -> memref<1x50x32xf32, #tpu.memory_space<hbm>>
        %dma_start3A_556 = tpu.memref_squeeze %dma_start3A_555 : memref<1x50x32xf32, #tpu.memory_space<hbm>> -> memref<50x32xf32, #tpu.memory_space<hbm>>
        %dma_start3A_557 = arith.constant 0 : i32
        %dma_start3A_558 = arith.constant 0 : i32
        %dma_start3A_559 = tpu.memref_slice %arg6[%run_scoped3A_323, %dma_start3A_557, %dma_start3A_558] : memref<8x50x32xf32, #tpu.memory_space<vmem>> -> memref<1x50x32xf32, #tpu.memory_space<vmem>>
        %dma_start3A_560 = tpu.memref_squeeze %dma_start3A_559 : memref<1x50x32xf32, #tpu.memory_space<vmem>> -> memref<50x32xf32, #tpu.memory_space<vmem>>
        tpu.enqueue_dma source(%dma_start3A_560 : memref<50x32xf32, #tpu.memory_space<vmem>>) target(%dma_start3A_556 : memref<50x32xf32, #tpu.memory_space<hbm>>) target_semaphore(%run_scoped3A_544 : memref<!tpu.dma_semaphore, #tpu.memory_space<semaphore_mem>>)
        %dma_wait3A_561 = arith.constant 0 : i32
        %dma_wait3A_562 = arith.constant 0 : i32
        %dma_wait3A_563 = tpu.memref_slice %arg6[%run_scoped3A_323, %dma_wait3A_561, %dma_wait3A_562] : memref<8x50x32xf32, #tpu.memory_space<vmem>> -> memref<1x50x32xf32, #tpu.memory_space<vmem>>
        %dma_wait3A_564 = tpu.memref_squeeze %dma_wait3A_563 : memref<1x50x32xf32, #tpu.memory_space<vmem>> -> memref<50x32xf32, #tpu.memory_space<vmem>>
        %dma_wait3A_565 = arith.constant 0 : i32
        %dma_wait3A_566 = arith.constant 0 : i32
        %dma_wait3A_567 = tpu.memref_slice %arg4[%add3A_322, %dma_wait3A_565, %dma_wait3A_566] : memref<16384x56x128xf32, #tpu.memory_space<hbm>> -> memref<1x50x32xf32, #tpu.memory_space<hbm>>
        %dma_wait3A_568 = tpu.memref_squeeze %dma_wait3A_567 : memref<1x50x32xf32, #tpu.memory_space<hbm>> -> memref<50x32xf32, #tpu.memory_space<hbm>>
        %dma_wait3A_569 = arith.constant 0 : i32
        %dma_wait3A_570 = arith.constant 0 : i32
        %dma_wait3A_571 = tpu.memref_slice %arg4[%add3A_322, %dma_wait3A_569, %dma_wait3A_570] : memref<16384x56x128xf32, #tpu.memory_space<hbm>> -> memref<1x50x32xf32, #tpu.memory_space<hbm>>
        %dma_wait3A_572 = tpu.memref_squeeze %dma_wait3A_571 : memref<1x50x32xf32, #tpu.memory_space<hbm>> -> memref<50x32xf32, #tpu.memory_space<hbm>>
        %dma_wait3A_573 = arith.constant 0 : i32
        %dma_wait3A_574 = arith.constant 0 : i32
        %dma_wait3A_575 = tpu.memref_slice %arg6[%run_scoped3A_323, %dma_wait3A_573, %dma_wait3A_574] : memref<8x50x32xf32, #tpu.memory_space<vmem>> -> memref<1x50x32xf32, #tpu.memory_space<vmem>>
        %dma_wait3A_576 = tpu.memref_squeeze %dma_wait3A_575 : memref<1x50x32xf32, #tpu.memory_space<vmem>> -> memref<50x32xf32, #tpu.memory_space<vmem>>
        tpu.wait_dma2 semaphore(%run_scoped3A_544 : memref<!tpu.dma_semaphore, #tpu.memory_space<semaphore_mem>>) src(%dma_wait3A_576 : memref<50x32xf32, #tpu.memory_space<vmem>>) dst(%dma_wait3A_572 : memref<50x32xf32, #tpu.memory_space<hbm>>)
        tpu.yield
      }) : () -> ()
      %add3A_324 = arith.constant 8 : i32
      %add3A_325 = arith.addi %add3A_307, %add3A_324 : i32
      %dma_start3A_326 = arith.constant 1 : i32
      %dma_start3A_327 = arith.constant 1 : i32
      %dma_start3A_328 = arith.constant 0 : i32
      %dma_start3A_329 = arith.constant 0 : i32
      %dma_start3A_330 = tpu.memref_slice %arg6[%dma_start3A_326, %dma_start3A_328, %dma_start3A_329] : memref<8x50x32xf32, #tpu.memory_space<vmem>> -> memref<1x50x32xf32, #tpu.memory_space<vmem>>
      %dma_start3A_331 = tpu.memref_squeeze %dma_start3A_330 : memref<1x50x32xf32, #tpu.memory_space<vmem>> -> memref<50x32xf32, #tpu.memory_space<vmem>>
      %dma_start3A_332 = arith.constant 0 : i32
      %dma_start3A_333 = tpu.memref_slice %arg5[%add3A_325, %dma_start3A_332] : memref<512x50xi32, #tpu.memory_space<vmem>> -> memref<1x50xi32, #tpu.memory_space<vmem>>
      %dma_start3A_334 = tpu.memref_squeeze %dma_start3A_333 : memref<1x50xi32, #tpu.memory_space<vmem>> -> memref<50xi32, #tpu.memory_space<vmem>>
      %dma_start3A_335 = arith.constant 0 : i32
      %dma_start3A_336 = arith.constant 0 : i32
      %dma_start3A_337 = tpu.memref_slice %arg3[%dma_start3A_335, %dma_start3A_336] : memref<1000000x32xf32, #tpu.memory_space<hbm>> -> memref<1000000x32xf32, #tpu.memory_space<hbm>>
      %dma_start3A_338 = tpu.memref_slice %arg7[%dma_start3A_327] : memref<8x!tpu.dma_semaphore, #tpu.memory_space<semaphore_mem>> -> memref<1x!tpu.dma_semaphore, #tpu.memory_space<semaphore_mem>>
      %dma_start3A_339 = tpu.memref_squeeze %dma_start3A_338 : memref<1x!tpu.dma_semaphore, #tpu.memory_space<semaphore_mem>> -> memref<!tpu.dma_semaphore, #tpu.memory_space<semaphore_mem>>
      tpu.enqueue_indirect_dma source(%dma_start3A_337 : memref<1000000x32xf32, #tpu.memory_space<hbm>>) target(%dma_start3A_331 : memref<50x32xf32, #tpu.memory_space<vmem>>) offsets(%dma_start3A_334 : memref<50xi32, #tpu.memory_space<vmem>>) semaphore(%dma_start3A_339 : memref<!tpu.dma_semaphore, #tpu.memory_space<semaphore_mem>>)
      %add3A_340 = arith.constant 2 : i32
      %add3A_341 = arith.addi %mul3A_271, %add3A_340 : i32
      %dma_wait3A_342 = arith.constant 2 : i32
      %dma_wait3A_343 = arith.constant 2 : i32
      %dma_wait3A_344 = arith.constant 0 : i32
      %dma_wait3A_345 = arith.constant 0 : i32
      %dma_wait3A_346 = tpu.memref_slice %arg6[%dma_wait3A_342, %dma_wait3A_344, %dma_wait3A_345] : memref<8x50x32xf32, #tpu.memory_space<vmem>> -> memref<1x50x32xf32, #tpu.memory_space<vmem>>
      %dma_wait3A_347 = tpu.memref_squeeze %dma_wait3A_346 : memref<1x50x32xf32, #tpu.memory_space<vmem>> -> memref<50x32xf32, #tpu.memory_space<vmem>>
      %dma_wait3A_348 = arith.constant 0 : i32
      %dma_wait3A_349 = tpu.memref_slice %arg5[%add3A_341, %dma_wait3A_348] : memref<512x50xi32, #tpu.memory_space<vmem>> -> memref<1x50xi32, #tpu.memory_space<vmem>>
      %dma_wait3A_350 = tpu.memref_squeeze %dma_wait3A_349 : memref<1x50xi32, #tpu.memory_space<vmem>> -> memref<50xi32, #tpu.memory_space<vmem>>
      %dma_wait3A_351 = arith.constant 0 : i32
      %dma_wait3A_352 = arith.constant 0 : i32
      %dma_wait3A_353 = tpu.memref_slice %arg3[%dma_wait3A_351, %dma_wait3A_352] : memref<1000000x32xf32, #tpu.memory_space<hbm>> -> memref<1000000x32xf32, #tpu.memory_space<hbm>>
      %dma_wait3A_354 = tpu.memref_slice %arg7[%dma_wait3A_343] : memref<8x!tpu.dma_semaphore, #tpu.memory_space<semaphore_mem>> -> memref<1x!tpu.dma_semaphore, #tpu.memory_space<semaphore_mem>>
      %dma_wait3A_355 = tpu.memref_squeeze %dma_wait3A_354 : memref<1x!tpu.dma_semaphore, #tpu.memory_space<semaphore_mem>> -> memref<!tpu.dma_semaphore, #tpu.memory_space<semaphore_mem>>
      tpu.wait_indirect_dma semaphore(%dma_wait3A_355 : memref<!tpu.dma_semaphore, #tpu.memory_space<semaphore_mem>>) src(%dma_wait3A_353 : memref<1000000x32xf32, #tpu.memory_space<hbm>>) dst(%dma_wait3A_347 : memref<50x32xf32, #tpu.memory_space<vmem>>)
      %add3A_356 = arith.addi %mul3A_2, %add3A_341 : i32
      %run_scoped3A_357 = arith.constant 2 : i32
      "tpu.region"() ({
        %run_scoped3A_544 = tpu.sem_alloc : memref<!tpu.dma_semaphore, #tpu.memory_space<semaphore_mem>>
        %dma_start3A_545 = arith.constant 0 : i32
        %dma_start3A_546 = arith.constant 0 : i32
        %dma_start3A_547 = tpu.memref_slice %arg6[%run_scoped3A_357, %dma_start3A_545, %dma_start3A_546] : memref<8x50x32xf32, #tpu.memory_space<vmem>> -> memref<1x50x32xf32, #tpu.memory_space<vmem>>
        %dma_start3A_548 = tpu.memref_squeeze %dma_start3A_547 : memref<1x50x32xf32, #tpu.memory_space<vmem>> -> memref<50x32xf32, #tpu.memory_space<vmem>>
        %dma_start3A_549 = arith.constant 0 : i32
        %dma_start3A_550 = arith.constant 0 : i32
        %dma_start3A_551 = tpu.memref_slice %arg4[%add3A_356, %dma_start3A_549, %dma_start3A_550] : memref<16384x56x128xf32, #tpu.memory_space<hbm>> -> memref<1x50x32xf32, #tpu.memory_space<hbm>>
        %dma_start3A_552 = tpu.memref_squeeze %dma_start3A_551 : memref<1x50x32xf32, #tpu.memory_space<hbm>> -> memref<50x32xf32, #tpu.memory_space<hbm>>
        %dma_start3A_553 = arith.constant 0 : i32
        %dma_start3A_554 = arith.constant 0 : i32
        %dma_start3A_555 = tpu.memref_slice %arg4[%add3A_356, %dma_start3A_553, %dma_start3A_554] : memref<16384x56x128xf32, #tpu.memory_space<hbm>> -> memref<1x50x32xf32, #tpu.memory_space<hbm>>
        %dma_start3A_556 = tpu.memref_squeeze %dma_start3A_555 : memref<1x50x32xf32, #tpu.memory_space<hbm>> -> memref<50x32xf32, #tpu.memory_space<hbm>>
        %dma_start3A_557 = arith.constant 0 : i32
        %dma_start3A_558 = arith.constant 0 : i32
        %dma_start3A_559 = tpu.memref_slice %arg6[%run_scoped3A_357, %dma_start3A_557, %dma_start3A_558] : memref<8x50x32xf32, #tpu.memory_space<vmem>> -> memref<1x50x32xf32, #tpu.memory_space<vmem>>
        %dma_start3A_560 = tpu.memref_squeeze %dma_start3A_559 : memref<1x50x32xf32, #tpu.memory_space<vmem>> -> memref<50x32xf32, #tpu.memory_space<vmem>>
        tpu.enqueue_dma source(%dma_start3A_560 : memref<50x32xf32, #tpu.memory_space<vmem>>) target(%dma_start3A_556 : memref<50x32xf32, #tpu.memory_space<hbm>>) target_semaphore(%run_scoped3A_544 : memref<!tpu.dma_semaphore, #tpu.memory_space<semaphore_mem>>)
        %dma_wait3A_561 = arith.constant 0 : i32
        %dma_wait3A_562 = arith.constant 0 : i32
        %dma_wait3A_563 = tpu.memref_slice %arg6[%run_scoped3A_357, %dma_wait3A_561, %dma_wait3A_562] : memref<8x50x32xf32, #tpu.memory_space<vmem>> -> memref<1x50x32xf32, #tpu.memory_space<vmem>>
        %dma_wait3A_564 = tpu.memref_squeeze %dma_wait3A_563 : memref<1x50x32xf32, #tpu.memory_space<vmem>> -> memref<50x32xf32, #tpu.memory_space<vmem>>
        %dma_wait3A_565 = arith.constant 0 : i32
        %dma_wait3A_566 = arith.constant 0 : i32
        %dma_wait3A_567 = tpu.memref_slice %arg4[%add3A_356, %dma_wait3A_565, %dma_wait3A_566] : memref<16384x56x128xf32, #tpu.memory_space<hbm>> -> memref<1x50x32xf32, #tpu.memory_space<hbm>>
        %dma_wait3A_568 = tpu.memref_squeeze %dma_wait3A_567 : memref<1x50x32xf32, #tpu.memory_space<hbm>> -> memref<50x32xf32, #tpu.memory_space<hbm>>
        %dma_wait3A_569 = arith.constant 0 : i32
        %dma_wait3A_570 = arith.constant 0 : i32
        %dma_wait3A_571 = tpu.memref_slice %arg4[%add3A_356, %dma_wait3A_569, %dma_wait3A_570] : memref<16384x56x128xf32, #tpu.memory_space<hbm>> -> memref<1x50x32xf32, #tpu.memory_space<hbm>>
        %dma_wait3A_572 = tpu.memref_squeeze %dma_wait3A_571 : memref<1x50x32xf32, #tpu.memory_space<hbm>> -> memref<50x32xf32, #tpu.memory_space<hbm>>
        %dma_wait3A_573 = arith.constant 0 : i32
        %dma_wait3A_574 = arith.constant 0 : i32
        %dma_wait3A_575 = tpu.memref_slice %arg6[%run_scoped3A_357, %dma_wait3A_573, %dma_wait3A_574] : memref<8x50x32xf32, #tpu.memory_space<vmem>> -> memref<1x50x32xf32, #tpu.memory_space<vmem>>
        %dma_wait3A_576 = tpu.memref_squeeze %dma_wait3A_575 : memref<1x50x32xf32, #tpu.memory_space<vmem>> -> memref<50x32xf32, #tpu.memory_space<vmem>>
        tpu.wait_dma2 semaphore(%run_scoped3A_544 : memref<!tpu.dma_semaphore, #tpu.memory_space<semaphore_mem>>) src(%dma_wait3A_576 : memref<50x32xf32, #tpu.memory_space<vmem>>) dst(%dma_wait3A_572 : memref<50x32xf32, #tpu.memory_space<hbm>>)
        tpu.yield
      }) : () -> ()
      %add3A_358 = arith.constant 8 : i32
      %add3A_359 = arith.addi %add3A_341, %add3A_358 : i32
      %dma_start3A_360 = arith.constant 2 : i32
      %dma_start3A_361 = arith.constant 2 : i32
      %dma_start3A_362 = arith.constant 0 : i32
      %dma_start3A_363 = arith.constant 0 : i32
      %dma_start3A_364 = tpu.memref_slice %arg6[%dma_start3A_360, %dma_start3A_362, %dma_start3A_363] : memref<8x50x32xf32, #tpu.memory_space<vmem>> -> memref<1x50x32xf32, #tpu.memory_space<vmem>>
      %dma_start3A_365 = tpu.memref_squeeze %dma_start3A_364 : memref<1x50x32xf32, #tpu.memory_space<vmem>> -> memref<50x32xf32, #tpu.memory_space<vmem>>
      %dma_start3A_366 = arith.constant 0 : i32
      %dma_start3A_367 = tpu.memref_slice %arg5[%add3A_359, %dma_start3A_366] : memref<512x50xi32, #tpu.memory_space<vmem>> -> memref<1x50xi32, #tpu.memory_space<vmem>>
      %dma_start3A_368 = tpu.memref_squeeze %dma_start3A_367 : memref<1x50xi32, #tpu.memory_space<vmem>> -> memref<50xi32, #tpu.memory_space<vmem>>
      %dma_start3A_369 = arith.constant 0 : i32
      %dma_start3A_370 = arith.constant 0 : i32
      %dma_start3A_371 = tpu.memref_slice %arg3[%dma_start3A_369, %dma_start3A_370] : memref<1000000x32xf32, #tpu.memory_space<hbm>> -> memref<1000000x32xf32, #tpu.memory_space<hbm>>
      %dma_start3A_372 = tpu.memref_slice %arg7[%dma_start3A_361] : memref<8x!tpu.dma_semaphore, #tpu.memory_space<semaphore_mem>> -> memref<1x!tpu.dma_semaphore, #tpu.memory_space<semaphore_mem>>
      %dma_start3A_373 = tpu.memref_squeeze %dma_start3A_372 : memref<1x!tpu.dma_semaphore, #tpu.memory_space<semaphore_mem>> -> memref<!tpu.dma_semaphore, #tpu.memory_space<semaphore_mem>>
      tpu.enqueue_indirect_dma source(%dma_start3A_371 : memref<1000000x32xf32, #tpu.memory_space<hbm>>) target(%dma_start3A_365 : memref<50x32xf32, #tpu.memory_space<vmem>>) offsets(%dma_start3A_368 : memref<50xi32, #tpu.memory_space<vmem>>) semaphore(%dma_start3A_373 : memref<!tpu.dma_semaphore, #tpu.memory_space<semaphore_mem>>)
      %add3A_374 = arith.constant 3 : i32
      %add3A_375 = arith.addi %mul3A_271, %add3A_374 : i32
      %dma_wait3A_376 = arith.constant 3 : i32
      %dma_wait3A_377 = arith.constant 3 : i32
      %dma_wait3A_378 = arith.constant 0 : i32
      %dma_wait3A_379 = arith.constant 0 : i32
      %dma_wait3A_380 = tpu.memref_slice %arg6[%dma_wait3A_376, %dma_wait3A_378, %dma_wait3A_379] : memref<8x50x32xf32, #tpu.memory_space<vmem>> -> memref<1x50x32xf32, #tpu.memory_space<vmem>>
      %dma_wait3A_381 = tpu.memref_squeeze %dma_wait3A_380 : memref<1x50x32xf32, #tpu.memory_space<vmem>> -> memref<50x32xf32, #tpu.memory_space<vmem>>
      %dma_wait3A_382 = arith.constant 0 : i32
      %dma_wait3A_383 = tpu.memref_slice %arg5[%add3A_375, %dma_wait3A_382] : memref<512x50xi32, #tpu.memory_space<vmem>> -> memref<1x50xi32, #tpu.memory_space<vmem>>
      %dma_wait3A_384 = tpu.memref_squeeze %dma_wait3A_383 : memref<1x50xi32, #tpu.memory_space<vmem>> -> memref<50xi32, #tpu.memory_space<vmem>>
      %dma_wait3A_385 = arith.constant 0 : i32
      %dma_wait3A_386 = arith.constant 0 : i32
      %dma_wait3A_387 = tpu.memref_slice %arg3[%dma_wait3A_385, %dma_wait3A_386] : memref<1000000x32xf32, #tpu.memory_space<hbm>> -> memref<1000000x32xf32, #tpu.memory_space<hbm>>
      %dma_wait3A_388 = tpu.memref_slice %arg7[%dma_wait3A_377] : memref<8x!tpu.dma_semaphore, #tpu.memory_space<semaphore_mem>> -> memref<1x!tpu.dma_semaphore, #tpu.memory_space<semaphore_mem>>
      %dma_wait3A_389 = tpu.memref_squeeze %dma_wait3A_388 : memref<1x!tpu.dma_semaphore, #tpu.memory_space<semaphore_mem>> -> memref<!tpu.dma_semaphore, #tpu.memory_space<semaphore_mem>>
      tpu.wait_indirect_dma semaphore(%dma_wait3A_389 : memref<!tpu.dma_semaphore, #tpu.memory_space<semaphore_mem>>) src(%dma_wait3A_387 : memref<1000000x32xf32, #tpu.memory_space<hbm>>) dst(%dma_wait3A_381 : memref<50x32xf32, #tpu.memory_space<vmem>>)
      %add3A_390 = arith.addi %mul3A_2, %add3A_375 : i32
      %run_scoped3A_391 = arith.constant 3 : i32
      "tpu.region"() ({
        %run_scoped3A_544 = tpu.sem_alloc : memref<!tpu.dma_semaphore, #tpu.memory_space<semaphore_mem>>
        %dma_start3A_545 = arith.constant 0 : i32
        %dma_start3A_546 = arith.constant 0 : i32
        %dma_start3A_547 = tpu.memref_slice %arg6[%run_scoped3A_391, %dma_start3A_545, %dma_start3A_546] : memref<8x50x32xf32, #tpu.memory_space<vmem>> -> memref<1x50x32xf32, #tpu.memory_space<vmem>>
        %dma_start3A_548 = tpu.memref_squeeze %dma_start3A_547 : memref<1x50x32xf32, #tpu.memory_space<vmem>> -> memref<50x32xf32, #tpu.memory_space<vmem>>
        %dma_start3A_549 = arith.constant 0 : i32
        %dma_start3A_550 = arith.constant 0 : i32
        %dma_start3A_551 = tpu.memref_slice %arg4[%add3A_390, %dma_start3A_549, %dma_start3A_550] : memref<16384x56x128xf32, #tpu.memory_space<hbm>> -> memref<1x50x32xf32, #tpu.memory_space<hbm>>
        %dma_start3A_552 = tpu.memref_squeeze %dma_start3A_551 : memref<1x50x32xf32, #tpu.memory_space<hbm>> -> memref<50x32xf32, #tpu.memory_space<hbm>>
        %dma_start3A_553 = arith.constant 0 : i32
        %dma_start3A_554 = arith.constant 0 : i32
        %dma_start3A_555 = tpu.memref_slice %arg4[%add3A_390, %dma_start3A_553, %dma_start3A_554] : memref<16384x56x128xf32, #tpu.memory_space<hbm>> -> memref<1x50x32xf32, #tpu.memory_space<hbm>>
        %dma_start3A_556 = tpu.memref_squeeze %dma_start3A_555 : memref<1x50x32xf32, #tpu.memory_space<hbm>> -> memref<50x32xf32, #tpu.memory_space<hbm>>
        %dma_start3A_557 = arith.constant 0 : i32
        %dma_start3A_558 = arith.constant 0 : i32
        %dma_start3A_559 = tpu.memref_slice %arg6[%run_scoped3A_391, %dma_start3A_557, %dma_start3A_558] : memref<8x50x32xf32, #tpu.memory_space<vmem>> -> memref<1x50x32xf32, #tpu.memory_space<vmem>>
        %dma_start3A_560 = tpu.memref_squeeze %dma_start3A_559 : memref<1x50x32xf32, #tpu.memory_space<vmem>> -> memref<50x32xf32, #tpu.memory_space<vmem>>
        tpu.enqueue_dma source(%dma_start3A_560 : memref<50x32xf32, #tpu.memory_space<vmem>>) target(%dma_start3A_556 : memref<50x32xf32, #tpu.memory_space<hbm>>) target_semaphore(%run_scoped3A_544 : memref<!tpu.dma_semaphore, #tpu.memory_space<semaphore_mem>>)
        %dma_wait3A_561 = arith.constant 0 : i32
        %dma_wait3A_562 = arith.constant 0 : i32
        %dma_wait3A_563 = tpu.memref_slice %arg6[%run_scoped3A_391, %dma_wait3A_561, %dma_wait3A_562] : memref<8x50x32xf32, #tpu.memory_space<vmem>> -> memref<1x50x32xf32, #tpu.memory_space<vmem>>
        %dma_wait3A_564 = tpu.memref_squeeze %dma_wait3A_563 : memref<1x50x32xf32, #tpu.memory_space<vmem>> -> memref<50x32xf32, #tpu.memory_space<vmem>>
        %dma_wait3A_565 = arith.constant 0 : i32
        %dma_wait3A_566 = arith.constant 0 : i32
        %dma_wait3A_567 = tpu.memref_slice %arg4[%add3A_390, %dma_wait3A_565, %dma_wait3A_566] : memref<16384x56x128xf32, #tpu.memory_space<hbm>> -> memref<1x50x32xf32, #tpu.memory_space<hbm>>
        %dma_wait3A_568 = tpu.memref_squeeze %dma_wait3A_567 : memref<1x50x32xf32, #tpu.memory_space<hbm>> -> memref<50x32xf32, #tpu.memory_space<hbm>>
        %dma_wait3A_569 = arith.constant 0 : i32
        %dma_wait3A_570 = arith.constant 0 : i32
        %dma_wait3A_571 = tpu.memref_slice %arg4[%add3A_390, %dma_wait3A_569, %dma_wait3A_570] : memref<16384x56x128xf32, #tpu.memory_space<hbm>> -> memref<1x50x32xf32, #tpu.memory_space<hbm>>
        %dma_wait3A_572 = tpu.memref_squeeze %dma_wait3A_571 : memref<1x50x32xf32, #tpu.memory_space<hbm>> -> memref<50x32xf32, #tpu.memory_space<hbm>>
        %dma_wait3A_573 = arith.constant 0 : i32
        %dma_wait3A_574 = arith.constant 0 : i32
        %dma_wait3A_575 = tpu.memref_slice %arg6[%run_scoped3A_391, %dma_wait3A_573, %dma_wait3A_574] : memref<8x50x32xf32, #tpu.memory_space<vmem>> -> memref<1x50x32xf32, #tpu.memory_space<vmem>>
        %dma_wait3A_576 = tpu.memref_squeeze %dma_wait3A_575 : memref<1x50x32xf32, #tpu.memory_space<vmem>> -> memref<50x32xf32, #tpu.memory_space<vmem>>
        tpu.wait_dma2 semaphore(%run_scoped3A_544 : memref<!tpu.dma_semaphore, #tpu.memory_space<semaphore_mem>>) src(%dma_wait3A_576 : memref<50x32xf32, #tpu.memory_space<vmem>>) dst(%dma_wait3A_572 : memref<50x32xf32, #tpu.memory_space<hbm>>)
        tpu.yield
      }) : () -> ()
      %add3A_392 = arith.constant 8 : i32
      %add3A_393 = arith.addi %add3A_375, %add3A_392 : i32
      %dma_start3A_394 = arith.constant 3 : i32
      %dma_start3A_395 = arith.constant 3 : i32
      %dma_start3A_396 = arith.constant 0 : i32
      %dma_start3A_397 = arith.constant 0 : i32
      %dma_start3A_398 = tpu.memref_slice %arg6[%dma_start3A_394, %dma_start3A_396, %dma_start3A_397] : memref<8x50x32xf32, #tpu.memory_space<vmem>> -> memref<1x50x32xf32, #tpu.memory_space<vmem>>
      %dma_start3A_399 = tpu.memref_squeeze %dma_start3A_398 : memref<1x50x32xf32, #tpu.memory_space<vmem>> -> memref<50x32xf32, #tpu.memory_space<vmem>>
      %dma_start3A_400 = arith.constant 0 : i32
      %dma_start3A_401 = tpu.memref_slice %arg5[%add3A_393, %dma_start3A_400] : memref<512x50xi32, #tpu.memory_space<vmem>> -> memref<1x50xi32, #tpu.memory_space<vmem>>
      %dma_start3A_402 = tpu.memref_squeeze %dma_start3A_401 : memref<1x50xi32, #tpu.memory_space<vmem>> -> memref<50xi32, #tpu.memory_space<vmem>>
      %dma_start3A_403 = arith.constant 0 : i32
      %dma_start3A_404 = arith.constant 0 : i32
      %dma_start3A_405 = tpu.memref_slice %arg3[%dma_start3A_403, %dma_start3A_404] : memref<1000000x32xf32, #tpu.memory_space<hbm>> -> memref<1000000x32xf32, #tpu.memory_space<hbm>>
      %dma_start3A_406 = tpu.memref_slice %arg7[%dma_start3A_395] : memref<8x!tpu.dma_semaphore, #tpu.memory_space<semaphore_mem>> -> memref<1x!tpu.dma_semaphore, #tpu.memory_space<semaphore_mem>>
      %dma_start3A_407 = tpu.memref_squeeze %dma_start3A_406 : memref<1x!tpu.dma_semaphore, #tpu.memory_space<semaphore_mem>> -> memref<!tpu.dma_semaphore, #tpu.memory_space<semaphore_mem>>
      tpu.enqueue_indirect_dma source(%dma_start3A_405 : memref<1000000x32xf32, #tpu.memory_space<hbm>>) target(%dma_start3A_399 : memref<50x32xf32, #tpu.memory_space<vmem>>) offsets(%dma_start3A_402 : memref<50xi32, #tpu.memory_space<vmem>>) semaphore(%dma_start3A_407 : memref<!tpu.dma_semaphore, #tpu.memory_space<semaphore_mem>>)
      %add3A_408 = arith.constant 4 : i32
      %add3A_409 = arith.addi %mul3A_271, %add3A_408 : i32
      %dma_wait3A_410 = arith.constant 4 : i32
      %dma_wait3A_411 = arith.constant 4 : i32
      %dma_wait3A_412 = arith.constant 0 : i32
      %dma_wait3A_413 = arith.constant 0 : i32
      %dma_wait3A_414 = tpu.memref_slice %arg6[%dma_wait3A_410, %dma_wait3A_412, %dma_wait3A_413] : memref<8x50x32xf32, #tpu.memory_space<vmem>> -> memref<1x50x32xf32, #tpu.memory_space<vmem>>
      %dma_wait3A_415 = tpu.memref_squeeze %dma_wait3A_414 : memref<1x50x32xf32, #tpu.memory_space<vmem>> -> memref<50x32xf32, #tpu.memory_space<vmem>>
      %dma_wait3A_416 = arith.constant 0 : i32
      %dma_wait3A_417 = tpu.memref_slice %arg5[%add3A_409, %dma_wait3A_416] : memref<512x50xi32, #tpu.memory_space<vmem>> -> memref<1x50xi32, #tpu.memory_space<vmem>>
      %dma_wait3A_418 = tpu.memref_squeeze %dma_wait3A_417 : memref<1x50xi32, #tpu.memory_space<vmem>> -> memref<50xi32, #tpu.memory_space<vmem>>
      %dma_wait3A_419 = arith.constant 0 : i32
      %dma_wait3A_420 = arith.constant 0 : i32
      %dma_wait3A_421 = tpu.memref_slice %arg3[%dma_wait3A_419, %dma_wait3A_420] : memref<1000000x32xf32, #tpu.memory_space<hbm>> -> memref<1000000x32xf32, #tpu.memory_space<hbm>>
      %dma_wait3A_422 = tpu.memref_slice %arg7[%dma_wait3A_411] : memref<8x!tpu.dma_semaphore, #tpu.memory_space<semaphore_mem>> -> memref<1x!tpu.dma_semaphore, #tpu.memory_space<semaphore_mem>>
      %dma_wait3A_423 = tpu.memref_squeeze %dma_wait3A_422 : memref<1x!tpu.dma_semaphore, #tpu.memory_space<semaphore_mem>> -> memref<!tpu.dma_semaphore, #tpu.memory_space<semaphore_mem>>
      tpu.wait_indirect_dma semaphore(%dma_wait3A_423 : memref<!tpu.dma_semaphore, #tpu.memory_space<semaphore_mem>>) src(%dma_wait3A_421 : memref<1000000x32xf32, #tpu.memory_space<hbm>>) dst(%dma_wait3A_415 : memref<50x32xf32, #tpu.memory_space<vmem>>)
      %add3A_424 = arith.addi %mul3A_2, %add3A_409 : i32
      %run_scoped3A_425 = arith.constant 4 : i32
      "tpu.region"() ({
        %run_scoped3A_544 = tpu.sem_alloc : memref<!tpu.dma_semaphore, #tpu.memory_space<semaphore_mem>>
        %dma_start3A_545 = arith.constant 0 : i32
        %dma_start3A_546 = arith.constant 0 : i32
        %dma_start3A_547 = tpu.memref_slice %arg6[%run_scoped3A_425, %dma_start3A_545, %dma_start3A_546] : memref<8x50x32xf32, #tpu.memory_space<vmem>> -> memref<1x50x32xf32, #tpu.memory_space<vmem>>
        %dma_start3A_548 = tpu.memref_squeeze %dma_start3A_547 : memref<1x50x32xf32, #tpu.memory_space<vmem>> -> memref<50x32xf32, #tpu.memory_space<vmem>>
        %dma_start3A_549 = arith.constant 0 : i32
        %dma_start3A_550 = arith.constant 0 : i32
        %dma_start3A_551 = tpu.memref_slice %arg4[%add3A_424, %dma_start3A_549, %dma_start3A_550] : memref<16384x56x128xf32, #tpu.memory_space<hbm>> -> memref<1x50x32xf32, #tpu.memory_space<hbm>>
        %dma_start3A_552 = tpu.memref_squeeze %dma_start3A_551 : memref<1x50x32xf32, #tpu.memory_space<hbm>> -> memref<50x32xf32, #tpu.memory_space<hbm>>
        %dma_start3A_553 = arith.constant 0 : i32
        %dma_start3A_554 = arith.constant 0 : i32
        %dma_start3A_555 = tpu.memref_slice %arg4[%add3A_424, %dma_start3A_553, %dma_start3A_554] : memref<16384x56x128xf32, #tpu.memory_space<hbm>> -> memref<1x50x32xf32, #tpu.memory_space<hbm>>
        %dma_start3A_556 = tpu.memref_squeeze %dma_start3A_555 : memref<1x50x32xf32, #tpu.memory_space<hbm>> -> memref<50x32xf32, #tpu.memory_space<hbm>>
        %dma_start3A_557 = arith.constant 0 : i32
        %dma_start3A_558 = arith.constant 0 : i32
        %dma_start3A_559 = tpu.memref_slice %arg6[%run_scoped3A_425, %dma_start3A_557, %dma_start3A_558] : memref<8x50x32xf32, #tpu.memory_space<vmem>> -> memref<1x50x32xf32, #tpu.memory_space<vmem>>
        %dma_start3A_560 = tpu.memref_squeeze %dma_start3A_559 : memref<1x50x32xf32, #tpu.memory_space<vmem>> -> memref<50x32xf32, #tpu.memory_space<vmem>>
        tpu.enqueue_dma source(%dma_start3A_560 : memref<50x32xf32, #tpu.memory_space<vmem>>) target(%dma_start3A_556 : memref<50x32xf32, #tpu.memory_space<hbm>>) target_semaphore(%run_scoped3A_544 : memref<!tpu.dma_semaphore, #tpu.memory_space<semaphore_mem>>)
        %dma_wait3A_561 = arith.constant 0 : i32
        %dma_wait3A_562 = arith.constant 0 : i32
        %dma_wait3A_563 = tpu.memref_slice %arg6[%run_scoped3A_425, %dma_wait3A_561, %dma_wait3A_562] : memref<8x50x32xf32, #tpu.memory_space<vmem>> -> memref<1x50x32xf32, #tpu.memory_space<vmem>>
        %dma_wait3A_564 = tpu.memref_squeeze %dma_wait3A_563 : memref<1x50x32xf32, #tpu.memory_space<vmem>> -> memref<50x32xf32, #tpu.memory_space<vmem>>
        %dma_wait3A_565 = arith.constant 0 : i32
        %dma_wait3A_566 = arith.constant 0 : i32
        %dma_wait3A_567 = tpu.memref_slice %arg4[%add3A_424, %dma_wait3A_565, %dma_wait3A_566] : memref<16384x56x128xf32, #tpu.memory_space<hbm>> -> memref<1x50x32xf32, #tpu.memory_space<hbm>>
        %dma_wait3A_568 = tpu.memref_squeeze %dma_wait3A_567 : memref<1x50x32xf32, #tpu.memory_space<hbm>> -> memref<50x32xf32, #tpu.memory_space<hbm>>
        %dma_wait3A_569 = arith.constant 0 : i32
        %dma_wait3A_570 = arith.constant 0 : i32
        %dma_wait3A_571 = tpu.memref_slice %arg4[%add3A_424, %dma_wait3A_569, %dma_wait3A_570] : memref<16384x56x128xf32, #tpu.memory_space<hbm>> -> memref<1x50x32xf32, #tpu.memory_space<hbm>>
        %dma_wait3A_572 = tpu.memref_squeeze %dma_wait3A_571 : memref<1x50x32xf32, #tpu.memory_space<hbm>> -> memref<50x32xf32, #tpu.memory_space<hbm>>
        %dma_wait3A_573 = arith.constant 0 : i32
        %dma_wait3A_574 = arith.constant 0 : i32
        %dma_wait3A_575 = tpu.memref_slice %arg6[%run_scoped3A_425, %dma_wait3A_573, %dma_wait3A_574] : memref<8x50x32xf32, #tpu.memory_space<vmem>> -> memref<1x50x32xf32, #tpu.memory_space<vmem>>
        %dma_wait3A_576 = tpu.memref_squeeze %dma_wait3A_575 : memref<1x50x32xf32, #tpu.memory_space<vmem>> -> memref<50x32xf32, #tpu.memory_space<vmem>>
        tpu.wait_dma2 semaphore(%run_scoped3A_544 : memref<!tpu.dma_semaphore, #tpu.memory_space<semaphore_mem>>) src(%dma_wait3A_576 : memref<50x32xf32, #tpu.memory_space<vmem>>) dst(%dma_wait3A_572 : memref<50x32xf32, #tpu.memory_space<hbm>>)
        tpu.yield
      }) : () -> ()
      %add3A_426 = arith.constant 8 : i32
      %add3A_427 = arith.addi %add3A_409, %add3A_426 : i32
      %dma_start3A_428 = arith.constant 4 : i32
      %dma_start3A_429 = arith.constant 4 : i32
      %dma_start3A_430 = arith.constant 0 : i32
      %dma_start3A_431 = arith.constant 0 : i32
      %dma_start3A_432 = tpu.memref_slice %arg6[%dma_start3A_428, %dma_start3A_430, %dma_start3A_431] : memref<8x50x32xf32, #tpu.memory_space<vmem>> -> memref<1x50x32xf32, #tpu.memory_space<vmem>>
      %dma_start3A_433 = tpu.memref_squeeze %dma_start3A_432 : memref<1x50x32xf32, #tpu.memory_space<vmem>> -> memref<50x32xf32, #tpu.memory_space<vmem>>
      %dma_start3A_434 = arith.constant 0 : i32
      %dma_start3A_435 = tpu.memref_slice %arg5[%add3A_427, %dma_start3A_434] : memref<512x50xi32, #tpu.memory_space<vmem>> -> memref<1x50xi32, #tpu.memory_space<vmem>>
      %dma_start3A_436 = tpu.memref_squeeze %dma_start3A_435 : memref<1x50xi32, #tpu.memory_space<vmem>> -> memref<50xi32, #tpu.memory_space<vmem>>
      %dma_start3A_437 = arith.constant 0 : i32
      %dma_start3A_438 = arith.constant 0 : i32
      %dma_start3A_439 = tpu.memref_slice %arg3[%dma_start3A_437, %dma_start3A_438] : memref<1000000x32xf32, #tpu.memory_space<hbm>> -> memref<1000000x32xf32, #tpu.memory_space<hbm>>
      %dma_start3A_440 = tpu.memref_slice %arg7[%dma_start3A_429] : memref<8x!tpu.dma_semaphore, #tpu.memory_space<semaphore_mem>> -> memref<1x!tpu.dma_semaphore, #tpu.memory_space<semaphore_mem>>
      %dma_start3A_441 = tpu.memref_squeeze %dma_start3A_440 : memref<1x!tpu.dma_semaphore, #tpu.memory_space<semaphore_mem>> -> memref<!tpu.dma_semaphore, #tpu.memory_space<semaphore_mem>>
      tpu.enqueue_indirect_dma source(%dma_start3A_439 : memref<1000000x32xf32, #tpu.memory_space<hbm>>) target(%dma_start3A_433 : memref<50x32xf32, #tpu.memory_space<vmem>>) offsets(%dma_start3A_436 : memref<50xi32, #tpu.memory_space<vmem>>) semaphore(%dma_start3A_441 : memref<!tpu.dma_semaphore, #tpu.memory_space<semaphore_mem>>)
      %add3A_442 = arith.constant 5 : i32
      %add3A_443 = arith.addi %mul3A_271, %add3A_442 : i32
      %dma_wait3A_444 = arith.constant 5 : i32
      %dma_wait3A_445 = arith.constant 5 : i32
      %dma_wait3A_446 = arith.constant 0 : i32
      %dma_wait3A_447 = arith.constant 0 : i32
      %dma_wait3A_448 = tpu.memref_slice %arg6[%dma_wait3A_444, %dma_wait3A_446, %dma_wait3A_447] : memref<8x50x32xf32, #tpu.memory_space<vmem>> -> memref<1x50x32xf32, #tpu.memory_space<vmem>>
      %dma_wait3A_449 = tpu.memref_squeeze %dma_wait3A_448 : memref<1x50x32xf32, #tpu.memory_space<vmem>> -> memref<50x32xf32, #tpu.memory_space<vmem>>
      %dma_wait3A_450 = arith.constant 0 : i32
      %dma_wait3A_451 = tpu.memref_slice %arg5[%add3A_443, %dma_wait3A_450] : memref<512x50xi32, #tpu.memory_space<vmem>> -> memref<1x50xi32, #tpu.memory_space<vmem>>
      %dma_wait3A_452 = tpu.memref_squeeze %dma_wait3A_451 : memref<1x50xi32, #tpu.memory_space<vmem>> -> memref<50xi32, #tpu.memory_space<vmem>>
      %dma_wait3A_453 = arith.constant 0 : i32
      %dma_wait3A_454 = arith.constant 0 : i32
      %dma_wait3A_455 = tpu.memref_slice %arg3[%dma_wait3A_453, %dma_wait3A_454] : memref<1000000x32xf32, #tpu.memory_space<hbm>> -> memref<1000000x32xf32, #tpu.memory_space<hbm>>
      %dma_wait3A_456 = tpu.memref_slice %arg7[%dma_wait3A_445] : memref<8x!tpu.dma_semaphore, #tpu.memory_space<semaphore_mem>> -> memref<1x!tpu.dma_semaphore, #tpu.memory_space<semaphore_mem>>
      %dma_wait3A_457 = tpu.memref_squeeze %dma_wait3A_456 : memref<1x!tpu.dma_semaphore, #tpu.memory_space<semaphore_mem>> -> memref<!tpu.dma_semaphore, #tpu.memory_space<semaphore_mem>>
      tpu.wait_indirect_dma semaphore(%dma_wait3A_457 : memref<!tpu.dma_semaphore, #tpu.memory_space<semaphore_mem>>) src(%dma_wait3A_455 : memref<1000000x32xf32, #tpu.memory_space<hbm>>) dst(%dma_wait3A_449 : memref<50x32xf32, #tpu.memory_space<vmem>>)
      %add3A_458 = arith.addi %mul3A_2, %add3A_443 : i32
      %run_scoped3A_459 = arith.constant 5 : i32
      "tpu.region"() ({
        %run_scoped3A_544 = tpu.sem_alloc : memref<!tpu.dma_semaphore, #tpu.memory_space<semaphore_mem>>
        %dma_start3A_545 = arith.constant 0 : i32
        %dma_start3A_546 = arith.constant 0 : i32
        %dma_start3A_547 = tpu.memref_slice %arg6[%run_scoped3A_459, %dma_start3A_545, %dma_start3A_546] : memref<8x50x32xf32, #tpu.memory_space<vmem>> -> memref<1x50x32xf32, #tpu.memory_space<vmem>>
        %dma_start3A_548 = tpu.memref_squeeze %dma_start3A_547 : memref<1x50x32xf32, #tpu.memory_space<vmem>> -> memref<50x32xf32, #tpu.memory_space<vmem>>
        %dma_start3A_549 = arith.constant 0 : i32
        %dma_start3A_550 = arith.constant 0 : i32
        %dma_start3A_551 = tpu.memref_slice %arg4[%add3A_458, %dma_start3A_549, %dma_start3A_550] : memref<16384x56x128xf32, #tpu.memory_space<hbm>> -> memref<1x50x32xf32, #tpu.memory_space<hbm>>
        %dma_start3A_552 = tpu.memref_squeeze %dma_start3A_551 : memref<1x50x32xf32, #tpu.memory_space<hbm>> -> memref<50x32xf32, #tpu.memory_space<hbm>>
        %dma_start3A_553 = arith.constant 0 : i32
        %dma_start3A_554 = arith.constant 0 : i32
        %dma_start3A_555 = tpu.memref_slice %arg4[%add3A_458, %dma_start3A_553, %dma_start3A_554] : memref<16384x56x128xf32, #tpu.memory_space<hbm>> -> memref<1x50x32xf32, #tpu.memory_space<hbm>>
        %dma_start3A_556 = tpu.memref_squeeze %dma_start3A_555 : memref<1x50x32xf32, #tpu.memory_space<hbm>> -> memref<50x32xf32, #tpu.memory_space<hbm>>
        %dma_start3A_557 = arith.constant 0 : i32
        %dma_start3A_558 = arith.constant 0 : i32
        %dma_start3A_559 = tpu.memref_slice %arg6[%run_scoped3A_459, %dma_start3A_557, %dma_start3A_558] : memref<8x50x32xf32, #tpu.memory_space<vmem>> -> memref<1x50x32xf32, #tpu.memory_space<vmem>>
        %dma_start3A_560 = tpu.memref_squeeze %dma_start3A_559 : memref<1x50x32xf32, #tpu.memory_space<vmem>> -> memref<50x32xf32, #tpu.memory_space<vmem>>
        tpu.enqueue_dma source(%dma_start3A_560 : memref<50x32xf32, #tpu.memory_space<vmem>>) target(%dma_start3A_556 : memref<50x32xf32, #tpu.memory_space<hbm>>) target_semaphore(%run_scoped3A_544 : memref<!tpu.dma_semaphore, #tpu.memory_space<semaphore_mem>>)
        %dma_wait3A_561 = arith.constant 0 : i32
        %dma_wait3A_562 = arith.constant 0 : i32
        %dma_wait3A_563 = tpu.memref_slice %arg6[%run_scoped3A_459, %dma_wait3A_561, %dma_wait3A_562] : memref<8x50x32xf32, #tpu.memory_space<vmem>> -> memref<1x50x32xf32, #tpu.memory_space<vmem>>
        %dma_wait3A_564 = tpu.memref_squeeze %dma_wait3A_563 : memref<1x50x32xf32, #tpu.memory_space<vmem>> -> memref<50x32xf32, #tpu.memory_space<vmem>>
        %dma_wait3A_565 = arith.constant 0 : i32
        %dma_wait3A_566 = arith.constant 0 : i32
        %dma_wait3A_567 = tpu.memref_slice %arg4[%add3A_458, %dma_wait3A_565, %dma_wait3A_566] : memref<16384x56x128xf32, #tpu.memory_space<hbm>> -> memref<1x50x32xf32, #tpu.memory_space<hbm>>
        %dma_wait3A_568 = tpu.memref_squeeze %dma_wait3A_567 : memref<1x50x32xf32, #tpu.memory_space<hbm>> -> memref<50x32xf32, #tpu.memory_space<hbm>>
        %dma_wait3A_569 = arith.constant 0 : i32
        %dma_wait3A_570 = arith.constant 0 : i32
        %dma_wait3A_571 = tpu.memref_slice %arg4[%add3A_458, %dma_wait3A_569, %dma_wait3A_570] : memref<16384x56x128xf32, #tpu.memory_space<hbm>> -> memref<1x50x32xf32, #tpu.memory_space<hbm>>
        %dma_wait3A_572 = tpu.memref_squeeze %dma_wait3A_571 : memref<1x50x32xf32, #tpu.memory_space<hbm>> -> memref<50x32xf32, #tpu.memory_space<hbm>>
        %dma_wait3A_573 = arith.constant 0 : i32
        %dma_wait3A_574 = arith.constant 0 : i32
        %dma_wait3A_575 = tpu.memref_slice %arg6[%run_scoped3A_459, %dma_wait3A_573, %dma_wait3A_574] : memref<8x50x32xf32, #tpu.memory_space<vmem>> -> memref<1x50x32xf32, #tpu.memory_space<vmem>>
        %dma_wait3A_576 = tpu.memref_squeeze %dma_wait3A_575 : memref<1x50x32xf32, #tpu.memory_space<vmem>> -> memref<50x32xf32, #tpu.memory_space<vmem>>
        tpu.wait_dma2 semaphore(%run_scoped3A_544 : memref<!tpu.dma_semaphore, #tpu.memory_space<semaphore_mem>>) src(%dma_wait3A_576 : memref<50x32xf32, #tpu.memory_space<vmem>>) dst(%dma_wait3A_572 : memref<50x32xf32, #tpu.memory_space<hbm>>)
        tpu.yield
      }) : () -> ()
      %add3A_460 = arith.constant 8 : i32
      %add3A_461 = arith.addi %add3A_443, %add3A_460 : i32
      %dma_start3A_462 = arith.constant 5 : i32
      %dma_start3A_463 = arith.constant 5 : i32
      %dma_start3A_464 = arith.constant 0 : i32
      %dma_start3A_465 = arith.constant 0 : i32
      %dma_start3A_466 = tpu.memref_slice %arg6[%dma_start3A_462, %dma_start3A_464, %dma_start3A_465] : memref<8x50x32xf32, #tpu.memory_space<vmem>> -> memref<1x50x32xf32, #tpu.memory_space<vmem>>
      %dma_start3A_467 = tpu.memref_squeeze %dma_start3A_466 : memref<1x50x32xf32, #tpu.memory_space<vmem>> -> memref<50x32xf32, #tpu.memory_space<vmem>>
      %dma_start3A_468 = arith.constant 0 : i32
      %dma_start3A_469 = tpu.memref_slice %arg5[%add3A_461, %dma_start3A_468] : memref<512x50xi32, #tpu.memory_space<vmem>> -> memref<1x50xi32, #tpu.memory_space<vmem>>
      %dma_start3A_470 = tpu.memref_squeeze %dma_start3A_469 : memref<1x50xi32, #tpu.memory_space<vmem>> -> memref<50xi32, #tpu.memory_space<vmem>>
      %dma_start3A_471 = arith.constant 0 : i32
      %dma_start3A_472 = arith.constant 0 : i32
      %dma_start3A_473 = tpu.memref_slice %arg3[%dma_start3A_471, %dma_start3A_472] : memref<1000000x32xf32, #tpu.memory_space<hbm>> -> memref<1000000x32xf32, #tpu.memory_space<hbm>>
      %dma_start3A_474 = tpu.memref_slice %arg7[%dma_start3A_463] : memref<8x!tpu.dma_semaphore, #tpu.memory_space<semaphore_mem>> -> memref<1x!tpu.dma_semaphore, #tpu.memory_space<semaphore_mem>>
      %dma_start3A_475 = tpu.memref_squeeze %dma_start3A_474 : memref<1x!tpu.dma_semaphore, #tpu.memory_space<semaphore_mem>> -> memref<!tpu.dma_semaphore, #tpu.memory_space<semaphore_mem>>
      tpu.enqueue_indirect_dma source(%dma_start3A_473 : memref<1000000x32xf32, #tpu.memory_space<hbm>>) target(%dma_start3A_467 : memref<50x32xf32, #tpu.memory_space<vmem>>) offsets(%dma_start3A_470 : memref<50xi32, #tpu.memory_space<vmem>>) semaphore(%dma_start3A_475 : memref<!tpu.dma_semaphore, #tpu.memory_space<semaphore_mem>>)
      %add3A_476 = arith.constant 6 : i32
      %add3A_477 = arith.addi %mul3A_271, %add3A_476 : i32
      %dma_wait3A_478 = arith.constant 6 : i32
      %dma_wait3A_479 = arith.constant 6 : i32
      %dma_wait3A_480 = arith.constant 0 : i32
      %dma_wait3A_481 = arith.constant 0 : i32
      %dma_wait3A_482 = tpu.memref_slice %arg6[%dma_wait3A_478, %dma_wait3A_480, %dma_wait3A_481] : memref<8x50x32xf32, #tpu.memory_space<vmem>> -> memref<1x50x32xf32, #tpu.memory_space<vmem>>
      %dma_wait3A_483 = tpu.memref_squeeze %dma_wait3A_482 : memref<1x50x32xf32, #tpu.memory_space<vmem>> -> memref<50x32xf32, #tpu.memory_space<vmem>>
      %dma_wait3A_484 = arith.constant 0 : i32
      %dma_wait3A_485 = tpu.memref_slice %arg5[%add3A_477, %dma_wait3A_484] : memref<512x50xi32, #tpu.memory_space<vmem>> -> memref<1x50xi32, #tpu.memory_space<vmem>>
      %dma_wait3A_486 = tpu.memref_squeeze %dma_wait3A_485 : memref<1x50xi32, #tpu.memory_space<vmem>> -> memref<50xi32, #tpu.memory_space<vmem>>
      %dma_wait3A_487 = arith.constant 0 : i32
      %dma_wait3A_488 = arith.constant 0 : i32
      %dma_wait3A_489 = tpu.memref_slice %arg3[%dma_wait3A_487, %dma_wait3A_488] : memref<1000000x32xf32, #tpu.memory_space<hbm>> -> memref<1000000x32xf32, #tpu.memory_space<hbm>>
      %dma_wait3A_490 = tpu.memref_slice %arg7[%dma_wait3A_479] : memref<8x!tpu.dma_semaphore, #tpu.memory_space<semaphore_mem>> -> memref<1x!tpu.dma_semaphore, #tpu.memory_space<semaphore_mem>>
      %dma_wait3A_491 = tpu.memref_squeeze %dma_wait3A_490 : memref<1x!tpu.dma_semaphore, #tpu.memory_space<semaphore_mem>> -> memref<!tpu.dma_semaphore, #tpu.memory_space<semaphore_mem>>
      tpu.wait_indirect_dma semaphore(%dma_wait3A_491 : memref<!tpu.dma_semaphore, #tpu.memory_space<semaphore_mem>>) src(%dma_wait3A_489 : memref<1000000x32xf32, #tpu.memory_space<hbm>>) dst(%dma_wait3A_483 : memref<50x32xf32, #tpu.memory_space<vmem>>)
      %add3A_492 = arith.addi %mul3A_2, %add3A_477 : i32
      %run_scoped3A_493 = arith.constant 6 : i32
      "tpu.region"() ({
        %run_scoped3A_544 = tpu.sem_alloc : memref<!tpu.dma_semaphore, #tpu.memory_space<semaphore_mem>>
        %dma_start3A_545 = arith.constant 0 : i32
        %dma_start3A_546 = arith.constant 0 : i32
        %dma_start3A_547 = tpu.memref_slice %arg6[%run_scoped3A_493, %dma_start3A_545, %dma_start3A_546] : memref<8x50x32xf32, #tpu.memory_space<vmem>> -> memref<1x50x32xf32, #tpu.memory_space<vmem>>
        %dma_start3A_548 = tpu.memref_squeeze %dma_start3A_547 : memref<1x50x32xf32, #tpu.memory_space<vmem>> -> memref<50x32xf32, #tpu.memory_space<vmem>>
        %dma_start3A_549 = arith.constant 0 : i32
        %dma_start3A_550 = arith.constant 0 : i32
        %dma_start3A_551 = tpu.memref_slice %arg4[%add3A_492, %dma_start3A_549, %dma_start3A_550] : memref<16384x56x128xf32, #tpu.memory_space<hbm>> -> memref<1x50x32xf32, #tpu.memory_space<hbm>>
        %dma_start3A_552 = tpu.memref_squeeze %dma_start3A_551 : memref<1x50x32xf32, #tpu.memory_space<hbm>> -> memref<50x32xf32, #tpu.memory_space<hbm>>
        %dma_start3A_553 = arith.constant 0 : i32
        %dma_start3A_554 = arith.constant 0 : i32
        %dma_start3A_555 = tpu.memref_slice %arg4[%add3A_492, %dma_start3A_553, %dma_start3A_554] : memref<16384x56x128xf32, #tpu.memory_space<hbm>> -> memref<1x50x32xf32, #tpu.memory_space<hbm>>
        %dma_start3A_556 = tpu.memref_squeeze %dma_start3A_555 : memref<1x50x32xf32, #tpu.memory_space<hbm>> -> memref<50x32xf32, #tpu.memory_space<hbm>>
        %dma_start3A_557 = arith.constant 0 : i32
        %dma_start3A_558 = arith.constant 0 : i32
        %dma_start3A_559 = tpu.memref_slice %arg6[%run_scoped3A_493, %dma_start3A_557, %dma_start3A_558] : memref<8x50x32xf32, #tpu.memory_space<vmem>> -> memref<1x50x32xf32, #tpu.memory_space<vmem>>
        %dma_start3A_560 = tpu.memref_squeeze %dma_start3A_559 : memref<1x50x32xf32, #tpu.memory_space<vmem>> -> memref<50x32xf32, #tpu.memory_space<vmem>>
        tpu.enqueue_dma source(%dma_start3A_560 : memref<50x32xf32, #tpu.memory_space<vmem>>) target(%dma_start3A_556 : memref<50x32xf32, #tpu.memory_space<hbm>>) target_semaphore(%run_scoped3A_544 : memref<!tpu.dma_semaphore, #tpu.memory_space<semaphore_mem>>)
        %dma_wait3A_561 = arith.constant 0 : i32
        %dma_wait3A_562 = arith.constant 0 : i32
        %dma_wait3A_563 = tpu.memref_slice %arg6[%run_scoped3A_493, %dma_wait3A_561, %dma_wait3A_562] : memref<8x50x32xf32, #tpu.memory_space<vmem>> -> memref<1x50x32xf32, #tpu.memory_space<vmem>>
        %dma_wait3A_564 = tpu.memref_squeeze %dma_wait3A_563 : memref<1x50x32xf32, #tpu.memory_space<vmem>> -> memref<50x32xf32, #tpu.memory_space<vmem>>
        %dma_wait3A_565 = arith.constant 0 : i32
        %dma_wait3A_566 = arith.constant 0 : i32
        %dma_wait3A_567 = tpu.memref_slice %arg4[%add3A_492, %dma_wait3A_565, %dma_wait3A_566] : memref<16384x56x128xf32, #tpu.memory_space<hbm>> -> memref<1x50x32xf32, #tpu.memory_space<hbm>>
        %dma_wait3A_568 = tpu.memref_squeeze %dma_wait3A_567 : memref<1x50x32xf32, #tpu.memory_space<hbm>> -> memref<50x32xf32, #tpu.memory_space<hbm>>
        %dma_wait3A_569 = arith.constant 0 : i32
        %dma_wait3A_570 = arith.constant 0 : i32
        %dma_wait3A_571 = tpu.memref_slice %arg4[%add3A_492, %dma_wait3A_569, %dma_wait3A_570] : memref<16384x56x128xf32, #tpu.memory_space<hbm>> -> memref<1x50x32xf32, #tpu.memory_space<hbm>>
        %dma_wait3A_572 = tpu.memref_squeeze %dma_wait3A_571 : memref<1x50x32xf32, #tpu.memory_space<hbm>> -> memref<50x32xf32, #tpu.memory_space<hbm>>
        %dma_wait3A_573 = arith.constant 0 : i32
        %dma_wait3A_574 = arith.constant 0 : i32
        %dma_wait3A_575 = tpu.memref_slice %arg6[%run_scoped3A_493, %dma_wait3A_573, %dma_wait3A_574] : memref<8x50x32xf32, #tpu.memory_space<vmem>> -> memref<1x50x32xf32, #tpu.memory_space<vmem>>
        %dma_wait3A_576 = tpu.memref_squeeze %dma_wait3A_575 : memref<1x50x32xf32, #tpu.memory_space<vmem>> -> memref<50x32xf32, #tpu.memory_space<vmem>>
        tpu.wait_dma2 semaphore(%run_scoped3A_544 : memref<!tpu.dma_semaphore, #tpu.memory_space<semaphore_mem>>) src(%dma_wait3A_576 : memref<50x32xf32, #tpu.memory_space<vmem>>) dst(%dma_wait3A_572 : memref<50x32xf32, #tpu.memory_space<hbm>>)
        tpu.yield
      }) : () -> ()
      %add3A_494 = arith.constant 8 : i32
      %add3A_495 = arith.addi %add3A_477, %add3A_494 : i32
      %dma_start3A_496 = arith.constant 6 : i32
      %dma_start3A_497 = arith.constant 6 : i32
      %dma_start3A_498 = arith.constant 0 : i32
      %dma_start3A_499 = arith.constant 0 : i32
      %dma_start3A_500 = tpu.memref_slice %arg6[%dma_start3A_496, %dma_start3A_498, %dma_start3A_499] : memref<8x50x32xf32, #tpu.memory_space<vmem>> -> memref<1x50x32xf32, #tpu.memory_space<vmem>>
      %dma_start3A_501 = tpu.memref_squeeze %dma_start3A_500 : memref<1x50x32xf32, #tpu.memory_space<vmem>> -> memref<50x32xf32, #tpu.memory_space<vmem>>
      %dma_start3A_502 = arith.constant 0 : i32
      %dma_start3A_503 = tpu.memref_slice %arg5[%add3A_495, %dma_start3A_502] : memref<512x50xi32, #tpu.memory_space<vmem>> -> memref<1x50xi32, #tpu.memory_space<vmem>>
      %dma_start3A_504 = tpu.memref_squeeze %dma_start3A_503 : memref<1x50xi32, #tpu.memory_space<vmem>> -> memref<50xi32, #tpu.memory_space<vmem>>
      %dma_start3A_505 = arith.constant 0 : i32
      %dma_start3A_506 = arith.constant 0 : i32
      %dma_start3A_507 = tpu.memref_slice %arg3[%dma_start3A_505, %dma_start3A_506] : memref<1000000x32xf32, #tpu.memory_space<hbm>> -> memref<1000000x32xf32, #tpu.memory_space<hbm>>
      %dma_start3A_508 = tpu.memref_slice %arg7[%dma_start3A_497] : memref<8x!tpu.dma_semaphore, #tpu.memory_space<semaphore_mem>> -> memref<1x!tpu.dma_semaphore, #tpu.memory_space<semaphore_mem>>
      %dma_start3A_509 = tpu.memref_squeeze %dma_start3A_508 : memref<1x!tpu.dma_semaphore, #tpu.memory_space<semaphore_mem>> -> memref<!tpu.dma_semaphore, #tpu.memory_space<semaphore_mem>>
      tpu.enqueue_indirect_dma source(%dma_start3A_507 : memref<1000000x32xf32, #tpu.memory_space<hbm>>) target(%dma_start3A_501 : memref<50x32xf32, #tpu.memory_space<vmem>>) offsets(%dma_start3A_504 : memref<50xi32, #tpu.memory_space<vmem>>) semaphore(%dma_start3A_509 : memref<!tpu.dma_semaphore, #tpu.memory_space<semaphore_mem>>)
      %add3A_510 = arith.constant 7 : i32
      %add3A_511 = arith.addi %mul3A_271, %add3A_510 : i32
      %dma_wait3A_512 = arith.constant 7 : i32
      %dma_wait3A_513 = arith.constant 7 : i32
      %dma_wait3A_514 = arith.constant 0 : i32
      %dma_wait3A_515 = arith.constant 0 : i32
      %dma_wait3A_516 = tpu.memref_slice %arg6[%dma_wait3A_512, %dma_wait3A_514, %dma_wait3A_515] : memref<8x50x32xf32, #tpu.memory_space<vmem>> -> memref<1x50x32xf32, #tpu.memory_space<vmem>>
      %dma_wait3A_517 = tpu.memref_squeeze %dma_wait3A_516 : memref<1x50x32xf32, #tpu.memory_space<vmem>> -> memref<50x32xf32, #tpu.memory_space<vmem>>
      %dma_wait3A_518 = arith.constant 0 : i32
      %dma_wait3A_519 = tpu.memref_slice %arg5[%add3A_511, %dma_wait3A_518] : memref<512x50xi32, #tpu.memory_space<vmem>> -> memref<1x50xi32, #tpu.memory_space<vmem>>
      %dma_wait3A_520 = tpu.memref_squeeze %dma_wait3A_519 : memref<1x50xi32, #tpu.memory_space<vmem>> -> memref<50xi32, #tpu.memory_space<vmem>>
      %dma_wait3A_521 = arith.constant 0 : i32
      %dma_wait3A_522 = arith.constant 0 : i32
      %dma_wait3A_523 = tpu.memref_slice %arg3[%dma_wait3A_521, %dma_wait3A_522] : memref<1000000x32xf32, #tpu.memory_space<hbm>> -> memref<1000000x32xf32, #tpu.memory_space<hbm>>
      %dma_wait3A_524 = tpu.memref_slice %arg7[%dma_wait3A_513] : memref<8x!tpu.dma_semaphore, #tpu.memory_space<semaphore_mem>> -> memref<1x!tpu.dma_semaphore, #tpu.memory_space<semaphore_mem>>
      %dma_wait3A_525 = tpu.memref_squeeze %dma_wait3A_524 : memref<1x!tpu.dma_semaphore, #tpu.memory_space<semaphore_mem>> -> memref<!tpu.dma_semaphore, #tpu.memory_space<semaphore_mem>>
      tpu.wait_indirect_dma semaphore(%dma_wait3A_525 : memref<!tpu.dma_semaphore, #tpu.memory_space<semaphore_mem>>) src(%dma_wait3A_523 : memref<1000000x32xf32, #tpu.memory_space<hbm>>) dst(%dma_wait3A_517 : memref<50x32xf32, #tpu.memory_space<vmem>>)
      %add3A_526 = arith.addi %mul3A_2, %add3A_511 : i32
      %run_scoped3A_527 = arith.constant 7 : i32
      "tpu.region"() ({
        %run_scoped3A_544 = tpu.sem_alloc : memref<!tpu.dma_semaphore, #tpu.memory_space<semaphore_mem>>
        %dma_start3A_545 = arith.constant 0 : i32
        %dma_start3A_546 = arith.constant 0 : i32
        %dma_start3A_547 = tpu.memref_slice %arg6[%run_scoped3A_527, %dma_start3A_545, %dma_start3A_546] : memref<8x50x32xf32, #tpu.memory_space<vmem>> -> memref<1x50x32xf32, #tpu.memory_space<vmem>>
        %dma_start3A_548 = tpu.memref_squeeze %dma_start3A_547 : memref<1x50x32xf32, #tpu.memory_space<vmem>> -> memref<50x32xf32, #tpu.memory_space<vmem>>
        %dma_start3A_549 = arith.constant 0 : i32
        %dma_start3A_550 = arith.constant 0 : i32
        %dma_start3A_551 = tpu.memref_slice %arg4[%add3A_526, %dma_start3A_549, %dma_start3A_550] : memref<16384x56x128xf32, #tpu.memory_space<hbm>> -> memref<1x50x32xf32, #tpu.memory_space<hbm>>
        %dma_start3A_552 = tpu.memref_squeeze %dma_start3A_551 : memref<1x50x32xf32, #tpu.memory_space<hbm>> -> memref<50x32xf32, #tpu.memory_space<hbm>>
        %dma_start3A_553 = arith.constant 0 : i32
        %dma_start3A_554 = arith.constant 0 : i32
        %dma_start3A_555 = tpu.memref_slice %arg4[%add3A_526, %dma_start3A_553, %dma_start3A_554] : memref<16384x56x128xf32, #tpu.memory_space<hbm>> -> memref<1x50x32xf32, #tpu.memory_space<hbm>>
        %dma_start3A_556 = tpu.memref_squeeze %dma_start3A_555 : memref<1x50x32xf32, #tpu.memory_space<hbm>> -> memref<50x32xf32, #tpu.memory_space<hbm>>
        %dma_start3A_557 = arith.constant 0 : i32
        %dma_start3A_558 = arith.constant 0 : i32
        %dma_start3A_559 = tpu.memref_slice %arg6[%run_scoped3A_527, %dma_start3A_557, %dma_start3A_558] : memref<8x50x32xf32, #tpu.memory_space<vmem>> -> memref<1x50x32xf32, #tpu.memory_space<vmem>>
        %dma_start3A_560 = tpu.memref_squeeze %dma_start3A_559 : memref<1x50x32xf32, #tpu.memory_space<vmem>> -> memref<50x32xf32, #tpu.memory_space<vmem>>
        tpu.enqueue_dma source(%dma_start3A_560 : memref<50x32xf32, #tpu.memory_space<vmem>>) target(%dma_start3A_556 : memref<50x32xf32, #tpu.memory_space<hbm>>) target_semaphore(%run_scoped3A_544 : memref<!tpu.dma_semaphore, #tpu.memory_space<semaphore_mem>>)
        %dma_wait3A_561 = arith.constant 0 : i32
        %dma_wait3A_562 = arith.constant 0 : i32
        %dma_wait3A_563 = tpu.memref_slice %arg6[%run_scoped3A_527, %dma_wait3A_561, %dma_wait3A_562] : memref<8x50x32xf32, #tpu.memory_space<vmem>> -> memref<1x50x32xf32, #tpu.memory_space<vmem>>
        %dma_wait3A_564 = tpu.memref_squeeze %dma_wait3A_563 : memref<1x50x32xf32, #tpu.memory_space<vmem>> -> memref<50x32xf32, #tpu.memory_space<vmem>>
        %dma_wait3A_565 = arith.constant 0 : i32
        %dma_wait3A_566 = arith.constant 0 : i32
        %dma_wait3A_567 = tpu.memref_slice %arg4[%add3A_526, %dma_wait3A_565, %dma_wait3A_566] : memref<16384x56x128xf32, #tpu.memory_space<hbm>> -> memref<1x50x32xf32, #tpu.memory_space<hbm>>
        %dma_wait3A_568 = tpu.memref_squeeze %dma_wait3A_567 : memref<1x50x32xf32, #tpu.memory_space<hbm>> -> memref<50x32xf32, #tpu.memory_space<hbm>>
        %dma_wait3A_569 = arith.constant 0 : i32
        %dma_wait3A_570 = arith.constant 0 : i32
        %dma_wait3A_571 = tpu.memref_slice %arg4[%add3A_526, %dma_wait3A_569, %dma_wait3A_570] : memref<16384x56x128xf32, #tpu.memory_space<hbm>> -> memref<1x50x32xf32, #tpu.memory_space<hbm>>
        %dma_wait3A_572 = tpu.memref_squeeze %dma_wait3A_571 : memref<1x50x32xf32, #tpu.memory_space<hbm>> -> memref<50x32xf32, #tpu.memory_space<hbm>>
        %dma_wait3A_573 = arith.constant 0 : i32
        %dma_wait3A_574 = arith.constant 0 : i32
        %dma_wait3A_575 = tpu.memref_slice %arg6[%run_scoped3A_527, %dma_wait3A_573, %dma_wait3A_574] : memref<8x50x32xf32, #tpu.memory_space<vmem>> -> memref<1x50x32xf32, #tpu.memory_space<vmem>>
        %dma_wait3A_576 = tpu.memref_squeeze %dma_wait3A_575 : memref<1x50x32xf32, #tpu.memory_space<vmem>> -> memref<50x32xf32, #tpu.memory_space<vmem>>
        tpu.wait_dma2 semaphore(%run_scoped3A_544 : memref<!tpu.dma_semaphore, #tpu.memory_space<semaphore_mem>>) src(%dma_wait3A_576 : memref<50x32xf32, #tpu.memory_space<vmem>>) dst(%dma_wait3A_572 : memref<50x32xf32, #tpu.memory_space<hbm>>)
        tpu.yield
      }) : () -> ()
      %add3A_528 = arith.constant 8 : i32
      %add3A_529 = arith.addi %add3A_511, %add3A_528 : i32
      %dma_start3A_530 = arith.constant 7 : i32
      %dma_start3A_531 = arith.constant 7 : i32
      %dma_start3A_532 = arith.constant 0 : i32
      %dma_start3A_533 = arith.constant 0 : i32
      %dma_start3A_534 = tpu.memref_slice %arg6[%dma_start3A_530, %dma_start3A_532, %dma_start3A_533] : memref<8x50x32xf32, #tpu.memory_space<vmem>> -> memref<1x50x32xf32, #tpu.memory_space<vmem>>
      %dma_start3A_535 = tpu.memref_squeeze %dma_start3A_534 : memref<1x50x32xf32, #tpu.memory_space<vmem>> -> memref<50x32xf32, #tpu.memory_space<vmem>>
      %dma_start3A_536 = arith.constant 0 : i32
      %dma_start3A_537 = tpu.memref_slice %arg5[%add3A_529, %dma_start3A_536] : memref<512x50xi32, #tpu.memory_space<vmem>> -> memref<1x50xi32, #tpu.memory_space<vmem>>
      %dma_start3A_538 = tpu.memref_squeeze %dma_start3A_537 : memref<1x50xi32, #tpu.memory_space<vmem>> -> memref<50xi32, #tpu.memory_space<vmem>>
      %dma_start3A_539 = arith.constant 0 : i32
      %dma_start3A_540 = arith.constant 0 : i32
      %dma_start3A_541 = tpu.memref_slice %arg3[%dma_start3A_539, %dma_start3A_540] : memref<1000000x32xf32, #tpu.memory_space<hbm>> -> memref<1000000x32xf32, #tpu.memory_space<hbm>>
      %dma_start3A_542 = tpu.memref_slice %arg7[%dma_start3A_531] : memref<8x!tpu.dma_semaphore, #tpu.memory_space<semaphore_mem>> -> memref<1x!tpu.dma_semaphore, #tpu.memory_space<semaphore_mem>>
      %dma_start3A_543 = tpu.memref_squeeze %dma_start3A_542 : memref<1x!tpu.dma_semaphore, #tpu.memory_space<semaphore_mem>> -> memref<!tpu.dma_semaphore, #tpu.memory_space<semaphore_mem>>
      tpu.enqueue_indirect_dma source(%dma_start3A_541 : memref<1000000x32xf32, #tpu.memory_space<hbm>>) target(%dma_start3A_535 : memref<50x32xf32, #tpu.memory_space<vmem>>) offsets(%dma_start3A_538 : memref<50xi32, #tpu.memory_space<vmem>>) semaphore(%dma_start3A_543 : memref<!tpu.dma_semaphore, #tpu.memory_space<semaphore_mem>>)
    }
    %scan3A_126 = arith.constant 63 : i32
    %dma_wait3A = arith.constant 504 : i32
    %dma_wait3A_127 = arith.constant 0 : i32
    %dma_wait3A_128 = arith.constant 0 : i32
    %dma_wait3A_129 = arith.constant 0 : i32
    %dma_wait3A_130 = arith.constant 0 : i32
    %dma_wait3A_131 = tpu.memref_slice %arg6[%dma_wait3A_127, %dma_wait3A_129, %dma_wait3A_130] : memref<8x50x32xf32, #tpu.memory_space<vmem>> -> memref<1x50x32xf32, #tpu.memory_space<vmem>>
    %dma_wait3A_132 = tpu.memref_squeeze %dma_wait3A_131 : memref<1x50x32xf32, #tpu.memory_space<vmem>> -> memref<50x32xf32, #tpu.memory_space<vmem>>
    %dma_wait3A_133 = arith.constant 0 : i32
    %dma_wait3A_134 = tpu.memref_slice %arg5[%dma_wait3A, %dma_wait3A_133] : memref<512x50xi32, #tpu.memory_space<vmem>> -> memref<1x50xi32, #tpu.memory_space<vmem>>
    %dma_wait3A_135 = tpu.memref_squeeze %dma_wait3A_134 : memref<1x50xi32, #tpu.memory_space<vmem>> -> memref<50xi32, #tpu.memory_space<vmem>>
    %dma_wait3A_136 = arith.constant 0 : i32
    %dma_wait3A_137 = arith.constant 0 : i32
    %dma_wait3A_138 = tpu.memref_slice %arg3[%dma_wait3A_136, %dma_wait3A_137] : memref<1000000x32xf32, #tpu.memory_space<hbm>> -> memref<1000000x32xf32, #tpu.memory_space<hbm>>
    %dma_wait3A_139 = tpu.memref_slice %arg7[%dma_wait3A_128] : memref<8x!tpu.dma_semaphore, #tpu.memory_space<semaphore_mem>> -> memref<1x!tpu.dma_semaphore, #tpu.memory_space<semaphore_mem>>
    %dma_wait3A_140 = tpu.memref_squeeze %dma_wait3A_139 : memref<1x!tpu.dma_semaphore, #tpu.memory_space<semaphore_mem>> -> memref<!tpu.dma_semaphore, #tpu.memory_space<semaphore_mem>>
    tpu.wait_indirect_dma semaphore(%dma_wait3A_140 : memref<!tpu.dma_semaphore, #tpu.memory_space<semaphore_mem>>) src(%dma_wait3A_138 : memref<1000000x32xf32, #tpu.memory_space<hbm>>) dst(%dma_wait3A_132 : memref<50x32xf32, #tpu.memory_space<vmem>>)
    %add3A_141 = arith.constant 504 : i32
    %add3A_142 = arith.addi %mul3A_2, %add3A_141 : i32
    %run_scoped3A = arith.constant 0 : i32
    "tpu.region"() ({
      %run_scoped3A_269 = tpu.sem_alloc : memref<!tpu.dma_semaphore, #tpu.memory_space<semaphore_mem>>
      %dma_start3A_270 = arith.constant 0 : i32
      %dma_start3A_271 = arith.constant 0 : i32
      %dma_start3A_272 = tpu.memref_slice %arg6[%run_scoped3A, %dma_start3A_270, %dma_start3A_271] : memref<8x50x32xf32, #tpu.memory_space<vmem>> -> memref<1x50x32xf32, #tpu.memory_space<vmem>>
      %dma_start3A_273 = tpu.memref_squeeze %dma_start3A_272 : memref<1x50x32xf32, #tpu.memory_space<vmem>> -> memref<50x32xf32, #tpu.memory_space<vmem>>
      %dma_start3A_274 = arith.constant 0 : i32
      %dma_start3A_275 = arith.constant 0 : i32
      %dma_start3A_276 = tpu.memref_slice %arg4[%add3A_142, %dma_start3A_274, %dma_start3A_275] : memref<16384x56x128xf32, #tpu.memory_space<hbm>> -> memref<1x50x32xf32, #tpu.memory_space<hbm>>
      %dma_start3A_277 = tpu.memref_squeeze %dma_start3A_276 : memref<1x50x32xf32, #tpu.memory_space<hbm>> -> memref<50x32xf32, #tpu.memory_space<hbm>>
      %dma_start3A_278 = arith.constant 0 : i32
      %dma_start3A_279 = arith.constant 0 : i32
      %dma_start3A_280 = tpu.memref_slice %arg4[%add3A_142, %dma_start3A_278, %dma_start3A_279] : memref<16384x56x128xf32, #tpu.memory_space<hbm>> -> memref<1x50x32xf32, #tpu.memory_space<hbm>>
      %dma_start3A_281 = tpu.memref_squeeze %dma_start3A_280 : memref<1x50x32xf32, #tpu.memory_space<hbm>> -> memref<50x32xf32, #tpu.memory_space<hbm>>
      %dma_start3A_282 = arith.constant 0 : i32
      %dma_start3A_283 = arith.constant 0 : i32
      %dma_start3A_284 = tpu.memref_slice %arg6[%run_scoped3A, %dma_start3A_282, %dma_start3A_283] : memref<8x50x32xf32, #tpu.memory_space<vmem>> -> memref<1x50x32xf32, #tpu.memory_space<vmem>>
      %dma_start3A_285 = tpu.memref_squeeze %dma_start3A_284 : memref<1x50x32xf32, #tpu.memory_space<vmem>> -> memref<50x32xf32, #tpu.memory_space<vmem>>
      tpu.enqueue_dma source(%dma_start3A_285 : memref<50x32xf32, #tpu.memory_space<vmem>>) target(%dma_start3A_281 : memref<50x32xf32, #tpu.memory_space<hbm>>) target_semaphore(%run_scoped3A_269 : memref<!tpu.dma_semaphore, #tpu.memory_space<semaphore_mem>>)
      %dma_wait3A_286 = arith.constant 0 : i32
      %dma_wait3A_287 = arith.constant 0 : i32
      %dma_wait3A_288 = tpu.memref_slice %arg6[%run_scoped3A, %dma_wait3A_286, %dma_wait3A_287] : memref<8x50x32xf32, #tpu.memory_space<vmem>> -> memref<1x50x32xf32, #tpu.memory_space<vmem>>
      %dma_wait3A_289 = tpu.memref_squeeze %dma_wait3A_288 : memref<1x50x32xf32, #tpu.memory_space<vmem>> -> memref<50x32xf32, #tpu.memory_space<vmem>>
      %dma_wait3A_290 = arith.constant 0 : i32
      %dma_wait3A_291 = arith.constant 0 : i32
      %dma_wait3A_292 = tpu.memref_slice %arg4[%add3A_142, %dma_wait3A_290, %dma_wait3A_291] : memref<16384x56x128xf32, #tpu.memory_space<hbm>> -> memref<1x50x32xf32, #tpu.memory_space<hbm>>
      %dma_wait3A_293 = tpu.memref_squeeze %dma_wait3A_292 : memref<1x50x32xf32, #tpu.memory_space<hbm>> -> memref<50x32xf32, #tpu.memory_space<hbm>>
      %dma_wait3A_294 = arith.constant 0 : i32
      %dma_wait3A_295 = arith.constant 0 : i32
      %dma_wait3A_296 = tpu.memref_slice %arg4[%add3A_142, %dma_wait3A_294, %dma_wait3A_295] : memref<16384x56x128xf32, #tpu.memory_space<hbm>> -> memref<1x50x32xf32, #tpu.memory_space<hbm>>
      %dma_wait3A_297 = tpu.memref_squeeze %dma_wait3A_296 : memref<1x50x32xf32, #tpu.memory_space<hbm>> -> memref<50x32xf32, #tpu.memory_space<hbm>>
      %dma_wait3A_298 = arith.constant 0 : i32
      %dma_wait3A_299 = arith.constant 0 : i32
      %dma_wait3A_300 = tpu.memref_slice %arg6[%run_scoped3A, %dma_wait3A_298, %dma_wait3A_299] : memref<8x50x32xf32, #tpu.memory_space<vmem>> -> memref<1x50x32xf32, #tpu.memory_space<vmem>>
      %dma_wait3A_301 = tpu.memref_squeeze %dma_wait3A_300 : memref<1x50x32xf32, #tpu.memory_space<vmem>> -> memref<50x32xf32, #tpu.memory_space<vmem>>
      tpu.wait_dma2 semaphore(%run_scoped3A_269 : memref<!tpu.dma_semaphore, #tpu.memory_space<semaphore_mem>>) src(%dma_wait3A_301 : memref<50x32xf32, #tpu.memory_space<vmem>>) dst(%dma_wait3A_297 : memref<50x32xf32, #tpu.memory_space<hbm>>)
      tpu.yield
    }) : () -> ()
    %dma_wait3A_143 = arith.constant 505 : i32
    %dma_wait3A_144 = arith.constant 1 : i32
    %dma_wait3A_145 = arith.constant 1 : i32
    %dma_wait3A_146 = arith.constant 0 : i32
    %dma_wait3A_147 = arith.constant 0 : i32
    %dma_wait3A_148 = tpu.memref_slice %arg6[%dma_wait3A_144, %dma_wait3A_146, %dma_wait3A_147] : memref<8x50x32xf32, #tpu.memory_space<vmem>> -> memref<1x50x32xf32, #tpu.memory_space<vmem>>
    %dma_wait3A_149 = tpu.memref_squeeze %dma_wait3A_148 : memref<1x50x32xf32, #tpu.memory_space<vmem>> -> memref<50x32xf32, #tpu.memory_space<vmem>>
    %dma_wait3A_150 = arith.constant 0 : i32
    %dma_wait3A_151 = tpu.memref_slice %arg5[%dma_wait3A_143, %dma_wait3A_150] : memref<512x50xi32, #tpu.memory_space<vmem>> -> memref<1x50xi32, #tpu.memory_space<vmem>>
    %dma_wait3A_152 = tpu.memref_squeeze %dma_wait3A_151 : memref<1x50xi32, #tpu.memory_space<vmem>> -> memref<50xi32, #tpu.memory_space<vmem>>
    %dma_wait3A_153 = arith.constant 0 : i32
    %dma_wait3A_154 = arith.constant 0 : i32
    %dma_wait3A_155 = tpu.memref_slice %arg3[%dma_wait3A_153, %dma_wait3A_154] : memref<1000000x32xf32, #tpu.memory_space<hbm>> -> memref<1000000x32xf32, #tpu.memory_space<hbm>>
    %dma_wait3A_156 = tpu.memref_slice %arg7[%dma_wait3A_145] : memref<8x!tpu.dma_semaphore, #tpu.memory_space<semaphore_mem>> -> memref<1x!tpu.dma_semaphore, #tpu.memory_space<semaphore_mem>>
    %dma_wait3A_157 = tpu.memref_squeeze %dma_wait3A_156 : memref<1x!tpu.dma_semaphore, #tpu.memory_space<semaphore_mem>> -> memref<!tpu.dma_semaphore, #tpu.memory_space<semaphore_mem>>
    tpu.wait_indirect_dma semaphore(%dma_wait3A_157 : memref<!tpu.dma_semaphore, #tpu.memory_space<semaphore_mem>>) src(%dma_wait3A_155 : memref<1000000x32xf32, #tpu.memory_space<hbm>>) dst(%dma_wait3A_149 : memref<50x32xf32, #tpu.memory_space<vmem>>)
    %add3A_158 = arith.constant 505 : i32
    %add3A_159 = arith.addi %mul3A_2, %add3A_158 : i32
    %run_scoped3A_160 = arith.constant 1 : i32
    "tpu.region"() ({
      %run_scoped3A_269 = tpu.sem_alloc : memref<!tpu.dma_semaphore, #tpu.memory_space<semaphore_mem>>
      %dma_start3A_270 = arith.constant 0 : i32
      %dma_start3A_271 = arith.constant 0 : i32
      %dma_start3A_272 = tpu.memref_slice %arg6[%run_scoped3A_160, %dma_start3A_270, %dma_start3A_271] : memref<8x50x32xf32, #tpu.memory_space<vmem>> -> memref<1x50x32xf32, #tpu.memory_space<vmem>>
      %dma_start3A_273 = tpu.memref_squeeze %dma_start3A_272 : memref<1x50x32xf32, #tpu.memory_space<vmem>> -> memref<50x32xf32, #tpu.memory_space<vmem>>
      %dma_start3A_274 = arith.constant 0 : i32
      %dma_start3A_275 = arith.constant 0 : i32
      %dma_start3A_276 = tpu.memref_slice %arg4[%add3A_159, %dma_start3A_274, %dma_start3A_275] : memref<16384x56x128xf32, #tpu.memory_space<hbm>> -> memref<1x50x32xf32, #tpu.memory_space<hbm>>
      %dma_start3A_277 = tpu.memref_squeeze %dma_start3A_276 : memref<1x50x32xf32, #tpu.memory_space<hbm>> -> memref<50x32xf32, #tpu.memory_space<hbm>>
      %dma_start3A_278 = arith.constant 0 : i32
      %dma_start3A_279 = arith.constant 0 : i32
      %dma_start3A_280 = tpu.memref_slice %arg4[%add3A_159, %dma_start3A_278, %dma_start3A_279] : memref<16384x56x128xf32, #tpu.memory_space<hbm>> -> memref<1x50x32xf32, #tpu.memory_space<hbm>>
      %dma_start3A_281 = tpu.memref_squeeze %dma_start3A_280 : memref<1x50x32xf32, #tpu.memory_space<hbm>> -> memref<50x32xf32, #tpu.memory_space<hbm>>
      %dma_start3A_282 = arith.constant 0 : i32
      %dma_start3A_283 = arith.constant 0 : i32
      %dma_start3A_284 = tpu.memref_slice %arg6[%run_scoped3A_160, %dma_start3A_282, %dma_start3A_283] : memref<8x50x32xf32, #tpu.memory_space<vmem>> -> memref<1x50x32xf32, #tpu.memory_space<vmem>>
      %dma_start3A_285 = tpu.memref_squeeze %dma_start3A_284 : memref<1x50x32xf32, #tpu.memory_space<vmem>> -> memref<50x32xf32, #tpu.memory_space<vmem>>
      tpu.enqueue_dma source(%dma_start3A_285 : memref<50x32xf32, #tpu.memory_space<vmem>>) target(%dma_start3A_281 : memref<50x32xf32, #tpu.memory_space<hbm>>) target_semaphore(%run_scoped3A_269 : memref<!tpu.dma_semaphore, #tpu.memory_space<semaphore_mem>>)
      %dma_wait3A_286 = arith.constant 0 : i32
      %dma_wait3A_287 = arith.constant 0 : i32
      %dma_wait3A_288 = tpu.memref_slice %arg6[%run_scoped3A_160, %dma_wait3A_286, %dma_wait3A_287] : memref<8x50x32xf32, #tpu.memory_space<vmem>> -> memref<1x50x32xf32, #tpu.memory_space<vmem>>
      %dma_wait3A_289 = tpu.memref_squeeze %dma_wait3A_288 : memref<1x50x32xf32, #tpu.memory_space<vmem>> -> memref<50x32xf32, #tpu.memory_space<vmem>>
      %dma_wait3A_290 = arith.constant 0 : i32
      %dma_wait3A_291 = arith.constant 0 : i32
      %dma_wait3A_292 = tpu.memref_slice %arg4[%add3A_159, %dma_wait3A_290, %dma_wait3A_291] : memref<16384x56x128xf32, #tpu.memory_space<hbm>> -> memref<1x50x32xf32, #tpu.memory_space<hbm>>
      %dma_wait3A_293 = tpu.memref_squeeze %dma_wait3A_292 : memref<1x50x32xf32, #tpu.memory_space<hbm>> -> memref<50x32xf32, #tpu.memory_space<hbm>>
      %dma_wait3A_294 = arith.constant 0 : i32
      %dma_wait3A_295 = arith.constant 0 : i32
      %dma_wait3A_296 = tpu.memref_slice %arg4[%add3A_159, %dma_wait3A_294, %dma_wait3A_295] : memref<16384x56x128xf32, #tpu.memory_space<hbm>> -> memref<1x50x32xf32, #tpu.memory_space<hbm>>
      %dma_wait3A_297 = tpu.memref_squeeze %dma_wait3A_296 : memref<1x50x32xf32, #tpu.memory_space<hbm>> -> memref<50x32xf32, #tpu.memory_space<hbm>>
      %dma_wait3A_298 = arith.constant 0 : i32
      %dma_wait3A_299 = arith.constant 0 : i32
      %dma_wait3A_300 = tpu.memref_slice %arg6[%run_scoped3A_160, %dma_wait3A_298, %dma_wait3A_299] : memref<8x50x32xf32, #tpu.memory_space<vmem>> -> memref<1x50x32xf32, #tpu.memory_space<vmem>>
      %dma_wait3A_301 = tpu.memref_squeeze %dma_wait3A_300 : memref<1x50x32xf32, #tpu.memory_space<vmem>> -> memref<50x32xf32, #tpu.memory_space<vmem>>
      tpu.wait_dma2 semaphore(%run_scoped3A_269 : memref<!tpu.dma_semaphore, #tpu.memory_space<semaphore_mem>>) src(%dma_wait3A_301 : memref<50x32xf32, #tpu.memory_space<vmem>>) dst(%dma_wait3A_297 : memref<50x32xf32, #tpu.memory_space<hbm>>)
      tpu.yield
    }) : () -> ()
    %dma_wait3A_161 = arith.constant 506 : i32
    %dma_wait3A_162 = arith.constant 2 : i32
    %dma_wait3A_163 = arith.constant 2 : i32
    %dma_wait3A_164 = arith.constant 0 : i32
    %dma_wait3A_165 = arith.constant 0 : i32
    %dma_wait3A_166 = tpu.memref_slice %arg6[%dma_wait3A_162, %dma_wait3A_164, %dma_wait3A_165] : memref<8x50x32xf32, #tpu.memory_space<vmem>> -> memref<1x50x32xf32, #tpu.memory_space<vmem>>
    %dma_wait3A_167 = tpu.memref_squeeze %dma_wait3A_166 : memref<1x50x32xf32, #tpu.memory_space<vmem>> -> memref<50x32xf32, #tpu.memory_space<vmem>>
    %dma_wait3A_168 = arith.constant 0 : i32
    %dma_wait3A_169 = tpu.memref_slice %arg5[%dma_wait3A_161, %dma_wait3A_168] : memref<512x50xi32, #tpu.memory_space<vmem>> -> memref<1x50xi32, #tpu.memory_space<vmem>>
    %dma_wait3A_170 = tpu.memref_squeeze %dma_wait3A_169 : memref<1x50xi32, #tpu.memory_space<vmem>> -> memref<50xi32, #tpu.memory_space<vmem>>
    %dma_wait3A_171 = arith.constant 0 : i32
    %dma_wait3A_172 = arith.constant 0 : i32
    %dma_wait3A_173 = tpu.memref_slice %arg3[%dma_wait3A_171, %dma_wait3A_172] : memref<1000000x32xf32, #tpu.memory_space<hbm>> -> memref<1000000x32xf32, #tpu.memory_space<hbm>>
    %dma_wait3A_174 = tpu.memref_slice %arg7[%dma_wait3A_163] : memref<8x!tpu.dma_semaphore, #tpu.memory_space<semaphore_mem>> -> memref<1x!tpu.dma_semaphore, #tpu.memory_space<semaphore_mem>>
    %dma_wait3A_175 = tpu.memref_squeeze %dma_wait3A_174 : memref<1x!tpu.dma_semaphore, #tpu.memory_space<semaphore_mem>> -> memref<!tpu.dma_semaphore, #tpu.memory_space<semaphore_mem>>
    tpu.wait_indirect_dma semaphore(%dma_wait3A_175 : memref<!tpu.dma_semaphore, #tpu.memory_space<semaphore_mem>>) src(%dma_wait3A_173 : memref<1000000x32xf32, #tpu.memory_space<hbm>>) dst(%dma_wait3A_167 : memref<50x32xf32, #tpu.memory_space<vmem>>)
    %add3A_176 = arith.constant 506 : i32
    %add3A_177 = arith.addi %mul3A_2, %add3A_176 : i32
    %run_scoped3A_178 = arith.constant 2 : i32
    "tpu.region"() ({
      %run_scoped3A_269 = tpu.sem_alloc : memref<!tpu.dma_semaphore, #tpu.memory_space<semaphore_mem>>
      %dma_start3A_270 = arith.constant 0 : i32
      %dma_start3A_271 = arith.constant 0 : i32
      %dma_start3A_272 = tpu.memref_slice %arg6[%run_scoped3A_178, %dma_start3A_270, %dma_start3A_271] : memref<8x50x32xf32, #tpu.memory_space<vmem>> -> memref<1x50x32xf32, #tpu.memory_space<vmem>>
      %dma_start3A_273 = tpu.memref_squeeze %dma_start3A_272 : memref<1x50x32xf32, #tpu.memory_space<vmem>> -> memref<50x32xf32, #tpu.memory_space<vmem>>
      %dma_start3A_274 = arith.constant 0 : i32
      %dma_start3A_275 = arith.constant 0 : i32
      %dma_start3A_276 = tpu.memref_slice %arg4[%add3A_177, %dma_start3A_274, %dma_start3A_275] : memref<16384x56x128xf32, #tpu.memory_space<hbm>> -> memref<1x50x32xf32, #tpu.memory_space<hbm>>
      %dma_start3A_277 = tpu.memref_squeeze %dma_start3A_276 : memref<1x50x32xf32, #tpu.memory_space<hbm>> -> memref<50x32xf32, #tpu.memory_space<hbm>>
      %dma_start3A_278 = arith.constant 0 : i32
      %dma_start3A_279 = arith.constant 0 : i32
      %dma_start3A_280 = tpu.memref_slice %arg4[%add3A_177, %dma_start3A_278, %dma_start3A_279] : memref<16384x56x128xf32, #tpu.memory_space<hbm>> -> memref<1x50x32xf32, #tpu.memory_space<hbm>>
      %dma_start3A_281 = tpu.memref_squeeze %dma_start3A_280 : memref<1x50x32xf32, #tpu.memory_space<hbm>> -> memref<50x32xf32, #tpu.memory_space<hbm>>
      %dma_start3A_282 = arith.constant 0 : i32
      %dma_start3A_283 = arith.constant 0 : i32
      %dma_start3A_284 = tpu.memref_slice %arg6[%run_scoped3A_178, %dma_start3A_282, %dma_start3A_283] : memref<8x50x32xf32, #tpu.memory_space<vmem>> -> memref<1x50x32xf32, #tpu.memory_space<vmem>>
      %dma_start3A_285 = tpu.memref_squeeze %dma_start3A_284 : memref<1x50x32xf32, #tpu.memory_space<vmem>> -> memref<50x32xf32, #tpu.memory_space<vmem>>
      tpu.enqueue_dma source(%dma_start3A_285 : memref<50x32xf32, #tpu.memory_space<vmem>>) target(%dma_start3A_281 : memref<50x32xf32, #tpu.memory_space<hbm>>) target_semaphore(%run_scoped3A_269 : memref<!tpu.dma_semaphore, #tpu.memory_space<semaphore_mem>>)
      %dma_wait3A_286 = arith.constant 0 : i32
      %dma_wait3A_287 = arith.constant 0 : i32
      %dma_wait3A_288 = tpu.memref_slice %arg6[%run_scoped3A_178, %dma_wait3A_286, %dma_wait3A_287] : memref<8x50x32xf32, #tpu.memory_space<vmem>> -> memref<1x50x32xf32, #tpu.memory_space<vmem>>
      %dma_wait3A_289 = tpu.memref_squeeze %dma_wait3A_288 : memref<1x50x32xf32, #tpu.memory_space<vmem>> -> memref<50x32xf32, #tpu.memory_space<vmem>>
      %dma_wait3A_290 = arith.constant 0 : i32
      %dma_wait3A_291 = arith.constant 0 : i32
      %dma_wait3A_292 = tpu.memref_slice %arg4[%add3A_177, %dma_wait3A_290, %dma_wait3A_291] : memref<16384x56x128xf32, #tpu.memory_space<hbm>> -> memref<1x50x32xf32, #tpu.memory_space<hbm>>
      %dma_wait3A_293 = tpu.memref_squeeze %dma_wait3A_292 : memref<1x50x32xf32, #tpu.memory_space<hbm>> -> memref<50x32xf32, #tpu.memory_space<hbm>>
      %dma_wait3A_294 = arith.constant 0 : i32
      %dma_wait3A_295 = arith.constant 0 : i32
      %dma_wait3A_296 = tpu.memref_slice %arg4[%add3A_177, %dma_wait3A_294, %dma_wait3A_295] : memref<16384x56x128xf32, #tpu.memory_space<hbm>> -> memref<1x50x32xf32, #tpu.memory_space<hbm>>
      %dma_wait3A_297 = tpu.memref_squeeze %dma_wait3A_296 : memref<1x50x32xf32, #tpu.memory_space<hbm>> -> memref<50x32xf32, #tpu.memory_space<hbm>>
      %dma_wait3A_298 = arith.constant 0 : i32
      %dma_wait3A_299 = arith.constant 0 : i32
      %dma_wait3A_300 = tpu.memref_slice %arg6[%run_scoped3A_178, %dma_wait3A_298, %dma_wait3A_299] : memref<8x50x32xf32, #tpu.memory_space<vmem>> -> memref<1x50x32xf32, #tpu.memory_space<vmem>>
      %dma_wait3A_301 = tpu.memref_squeeze %dma_wait3A_300 : memref<1x50x32xf32, #tpu.memory_space<vmem>> -> memref<50x32xf32, #tpu.memory_space<vmem>>
      tpu.wait_dma2 semaphore(%run_scoped3A_269 : memref<!tpu.dma_semaphore, #tpu.memory_space<semaphore_mem>>) src(%dma_wait3A_301 : memref<50x32xf32, #tpu.memory_space<vmem>>) dst(%dma_wait3A_297 : memref<50x32xf32, #tpu.memory_space<hbm>>)
      tpu.yield
    }) : () -> ()
    %dma_wait3A_179 = arith.constant 507 : i32
    %dma_wait3A_180 = arith.constant 3 : i32
    %dma_wait3A_181 = arith.constant 3 : i32
    %dma_wait3A_182 = arith.constant 0 : i32
    %dma_wait3A_183 = arith.constant 0 : i32
    %dma_wait3A_184 = tpu.memref_slice %arg6[%dma_wait3A_180, %dma_wait3A_182, %dma_wait3A_183] : memref<8x50x32xf32, #tpu.memory_space<vmem>> -> memref<1x50x32xf32, #tpu.memory_space<vmem>>
    %dma_wait3A_185 = tpu.memref_squeeze %dma_wait3A_184 : memref<1x50x32xf32, #tpu.memory_space<vmem>> -> memref<50x32xf32, #tpu.memory_space<vmem>>
    %dma_wait3A_186 = arith.constant 0 : i32
    %dma_wait3A_187 = tpu.memref_slice %arg5[%dma_wait3A_179, %dma_wait3A_186] : memref<512x50xi32, #tpu.memory_space<vmem>> -> memref<1x50xi32, #tpu.memory_space<vmem>>
    %dma_wait3A_188 = tpu.memref_squeeze %dma_wait3A_187 : memref<1x50xi32, #tpu.memory_space<vmem>> -> memref<50xi32, #tpu.memory_space<vmem>>
    %dma_wait3A_189 = arith.constant 0 : i32
    %dma_wait3A_190 = arith.constant 0 : i32
    %dma_wait3A_191 = tpu.memref_slice %arg3[%dma_wait3A_189, %dma_wait3A_190] : memref<1000000x32xf32, #tpu.memory_space<hbm>> -> memref<1000000x32xf32, #tpu.memory_space<hbm>>
    %dma_wait3A_192 = tpu.memref_slice %arg7[%dma_wait3A_181] : memref<8x!tpu.dma_semaphore, #tpu.memory_space<semaphore_mem>> -> memref<1x!tpu.dma_semaphore, #tpu.memory_space<semaphore_mem>>
    %dma_wait3A_193 = tpu.memref_squeeze %dma_wait3A_192 : memref<1x!tpu.dma_semaphore, #tpu.memory_space<semaphore_mem>> -> memref<!tpu.dma_semaphore, #tpu.memory_space<semaphore_mem>>
    tpu.wait_indirect_dma semaphore(%dma_wait3A_193 : memref<!tpu.dma_semaphore, #tpu.memory_space<semaphore_mem>>) src(%dma_wait3A_191 : memref<1000000x32xf32, #tpu.memory_space<hbm>>) dst(%dma_wait3A_185 : memref<50x32xf32, #tpu.memory_space<vmem>>)
    %add3A_194 = arith.constant 507 : i32
    %add3A_195 = arith.addi %mul3A_2, %add3A_194 : i32
    %run_scoped3A_196 = arith.constant 3 : i32
    "tpu.region"() ({
      %run_scoped3A_269 = tpu.sem_alloc : memref<!tpu.dma_semaphore, #tpu.memory_space<semaphore_mem>>
      %dma_start3A_270 = arith.constant 0 : i32
      %dma_start3A_271 = arith.constant 0 : i32
      %dma_start3A_272 = tpu.memref_slice %arg6[%run_scoped3A_196, %dma_start3A_270, %dma_start3A_271] : memref<8x50x32xf32, #tpu.memory_space<vmem>> -> memref<1x50x32xf32, #tpu.memory_space<vmem>>
      %dma_start3A_273 = tpu.memref_squeeze %dma_start3A_272 : memref<1x50x32xf32, #tpu.memory_space<vmem>> -> memref<50x32xf32, #tpu.memory_space<vmem>>
      %dma_start3A_274 = arith.constant 0 : i32
      %dma_start3A_275 = arith.constant 0 : i32
      %dma_start3A_276 = tpu.memref_slice %arg4[%add3A_195, %dma_start3A_274, %dma_start3A_275] : memref<16384x56x128xf32, #tpu.memory_space<hbm>> -> memref<1x50x32xf32, #tpu.memory_space<hbm>>
      %dma_start3A_277 = tpu.memref_squeeze %dma_start3A_276 : memref<1x50x32xf32, #tpu.memory_space<hbm>> -> memref<50x32xf32, #tpu.memory_space<hbm>>
      %dma_start3A_278 = arith.constant 0 : i32
      %dma_start3A_279 = arith.constant 0 : i32
      %dma_start3A_280 = tpu.memref_slice %arg4[%add3A_195, %dma_start3A_278, %dma_start3A_279] : memref<16384x56x128xf32, #tpu.memory_space<hbm>> -> memref<1x50x32xf32, #tpu.memory_space<hbm>>
      %dma_start3A_281 = tpu.memref_squeeze %dma_start3A_280 : memref<1x50x32xf32, #tpu.memory_space<hbm>> -> memref<50x32xf32, #tpu.memory_space<hbm>>
      %dma_start3A_282 = arith.constant 0 : i32
      %dma_start3A_283 = arith.constant 0 : i32
      %dma_start3A_284 = tpu.memref_slice %arg6[%run_scoped3A_196, %dma_start3A_282, %dma_start3A_283] : memref<8x50x32xf32, #tpu.memory_space<vmem>> -> memref<1x50x32xf32, #tpu.memory_space<vmem>>
      %dma_start3A_285 = tpu.memref_squeeze %dma_start3A_284 : memref<1x50x32xf32, #tpu.memory_space<vmem>> -> memref<50x32xf32, #tpu.memory_space<vmem>>
      tpu.enqueue_dma source(%dma_start3A_285 : memref<50x32xf32, #tpu.memory_space<vmem>>) target(%dma_start3A_281 : memref<50x32xf32, #tpu.memory_space<hbm>>) target_semaphore(%run_scoped3A_269 : memref<!tpu.dma_semaphore, #tpu.memory_space<semaphore_mem>>)
      %dma_wait3A_286 = arith.constant 0 : i32
      %dma_wait3A_287 = arith.constant 0 : i32
      %dma_wait3A_288 = tpu.memref_slice %arg6[%run_scoped3A_196, %dma_wait3A_286, %dma_wait3A_287] : memref<8x50x32xf32, #tpu.memory_space<vmem>> -> memref<1x50x32xf32, #tpu.memory_space<vmem>>
      %dma_wait3A_289 = tpu.memref_squeeze %dma_wait3A_288 : memref<1x50x32xf32, #tpu.memory_space<vmem>> -> memref<50x32xf32, #tpu.memory_space<vmem>>
      %dma_wait3A_290 = arith.constant 0 : i32
      %dma_wait3A_291 = arith.constant 0 : i32
      %dma_wait3A_292 = tpu.memref_slice %arg4[%add3A_195, %dma_wait3A_290, %dma_wait3A_291] : memref<16384x56x128xf32, #tpu.memory_space<hbm>> -> memref<1x50x32xf32, #tpu.memory_space<hbm>>
      %dma_wait3A_293 = tpu.memref_squeeze %dma_wait3A_292 : memref<1x50x32xf32, #tpu.memory_space<hbm>> -> memref<50x32xf32, #tpu.memory_space<hbm>>
      %dma_wait3A_294 = arith.constant 0 : i32
      %dma_wait3A_295 = arith.constant 0 : i32
      %dma_wait3A_296 = tpu.memref_slice %arg4[%add3A_195, %dma_wait3A_294, %dma_wait3A_295] : memref<16384x56x128xf32, #tpu.memory_space<hbm>> -> memref<1x50x32xf32, #tpu.memory_space<hbm>>
      %dma_wait3A_297 = tpu.memref_squeeze %dma_wait3A_296 : memref<1x50x32xf32, #tpu.memory_space<hbm>> -> memref<50x32xf32, #tpu.memory_space<hbm>>
      %dma_wait3A_298 = arith.constant 0 : i32
      %dma_wait3A_299 = arith.constant 0 : i32
      %dma_wait3A_300 = tpu.memref_slice %arg6[%run_scoped3A_196, %dma_wait3A_298, %dma_wait3A_299] : memref<8x50x32xf32, #tpu.memory_space<vmem>> -> memref<1x50x32xf32, #tpu.memory_space<vmem>>
      %dma_wait3A_301 = tpu.memref_squeeze %dma_wait3A_300 : memref<1x50x32xf32, #tpu.memory_space<vmem>> -> memref<50x32xf32, #tpu.memory_space<vmem>>
      tpu.wait_dma2 semaphore(%run_scoped3A_269 : memref<!tpu.dma_semaphore, #tpu.memory_space<semaphore_mem>>) src(%dma_wait3A_301 : memref<50x32xf32, #tpu.memory_space<vmem>>) dst(%dma_wait3A_297 : memref<50x32xf32, #tpu.memory_space<hbm>>)
      tpu.yield
    }) : () -> ()
    %dma_wait3A_197 = arith.constant 508 : i32
    %dma_wait3A_198 = arith.constant 4 : i32
    %dma_wait3A_199 = arith.constant 4 : i32
    %dma_wait3A_200 = arith.constant 0 : i32
    %dma_wait3A_201 = arith.constant 0 : i32
    %dma_wait3A_202 = tpu.memref_slice %arg6[%dma_wait3A_198, %dma_wait3A_200, %dma_wait3A_201] : memref<8x50x32xf32, #tpu.memory_space<vmem>> -> memref<1x50x32xf32, #tpu.memory_space<vmem>>
    %dma_wait3A_203 = tpu.memref_squeeze %dma_wait3A_202 : memref<1x50x32xf32, #tpu.memory_space<vmem>> -> memref<50x32xf32, #tpu.memory_space<vmem>>
    %dma_wait3A_204 = arith.constant 0 : i32
    %dma_wait3A_205 = tpu.memref_slice %arg5[%dma_wait3A_197, %dma_wait3A_204] : memref<512x50xi32, #tpu.memory_space<vmem>> -> memref<1x50xi32, #tpu.memory_space<vmem>>
    %dma_wait3A_206 = tpu.memref_squeeze %dma_wait3A_205 : memref<1x50xi32, #tpu.memory_space<vmem>> -> memref<50xi32, #tpu.memory_space<vmem>>
    %dma_wait3A_207 = arith.constant 0 : i32
    %dma_wait3A_208 = arith.constant 0 : i32
    %dma_wait3A_209 = tpu.memref_slice %arg3[%dma_wait3A_207, %dma_wait3A_208] : memref<1000000x32xf32, #tpu.memory_space<hbm>> -> memref<1000000x32xf32, #tpu.memory_space<hbm>>
    %dma_wait3A_210 = tpu.memref_slice %arg7[%dma_wait3A_199] : memref<8x!tpu.dma_semaphore, #tpu.memory_space<semaphore_mem>> -> memref<1x!tpu.dma_semaphore, #tpu.memory_space<semaphore_mem>>
    %dma_wait3A_211 = tpu.memref_squeeze %dma_wait3A_210 : memref<1x!tpu.dma_semaphore, #tpu.memory_space<semaphore_mem>> -> memref<!tpu.dma_semaphore, #tpu.memory_space<semaphore_mem>>
    tpu.wait_indirect_dma semaphore(%dma_wait3A_211 : memref<!tpu.dma_semaphore, #tpu.memory_space<semaphore_mem>>) src(%dma_wait3A_209 : memref<1000000x32xf32, #tpu.memory_space<hbm>>) dst(%dma_wait3A_203 : memref<50x32xf32, #tpu.memory_space<vmem>>)
    %add3A_212 = arith.constant 508 : i32
    %add3A_213 = arith.addi %mul3A_2, %add3A_212 : i32
    %run_scoped3A_214 = arith.constant 4 : i32
    "tpu.region"() ({
      %run_scoped3A_269 = tpu.sem_alloc : memref<!tpu.dma_semaphore, #tpu.memory_space<semaphore_mem>>
      %dma_start3A_270 = arith.constant 0 : i32
      %dma_start3A_271 = arith.constant 0 : i32
      %dma_start3A_272 = tpu.memref_slice %arg6[%run_scoped3A_214, %dma_start3A_270, %dma_start3A_271] : memref<8x50x32xf32, #tpu.memory_space<vmem>> -> memref<1x50x32xf32, #tpu.memory_space<vmem>>
      %dma_start3A_273 = tpu.memref_squeeze %dma_start3A_272 : memref<1x50x32xf32, #tpu.memory_space<vmem>> -> memref<50x32xf32, #tpu.memory_space<vmem>>
      %dma_start3A_274 = arith.constant 0 : i32
      %dma_start3A_275 = arith.constant 0 : i32
      %dma_start3A_276 = tpu.memref_slice %arg4[%add3A_213, %dma_start3A_274, %dma_start3A_275] : memref<16384x56x128xf32, #tpu.memory_space<hbm>> -> memref<1x50x32xf32, #tpu.memory_space<hbm>>
      %dma_start3A_277 = tpu.memref_squeeze %dma_start3A_276 : memref<1x50x32xf32, #tpu.memory_space<hbm>> -> memref<50x32xf32, #tpu.memory_space<hbm>>
      %dma_start3A_278 = arith.constant 0 : i32
      %dma_start3A_279 = arith.constant 0 : i32
      %dma_start3A_280 = tpu.memref_slice %arg4[%add3A_213, %dma_start3A_278, %dma_start3A_279] : memref<16384x56x128xf32, #tpu.memory_space<hbm>> -> memref<1x50x32xf32, #tpu.memory_space<hbm>>
      %dma_start3A_281 = tpu.memref_squeeze %dma_start3A_280 : memref<1x50x32xf32, #tpu.memory_space<hbm>> -> memref<50x32xf32, #tpu.memory_space<hbm>>
      %dma_start3A_282 = arith.constant 0 : i32
      %dma_start3A_283 = arith.constant 0 : i32
      %dma_start3A_284 = tpu.memref_slice %arg6[%run_scoped3A_214, %dma_start3A_282, %dma_start3A_283] : memref<8x50x32xf32, #tpu.memory_space<vmem>> -> memref<1x50x32xf32, #tpu.memory_space<vmem>>
      %dma_start3A_285 = tpu.memref_squeeze %dma_start3A_284 : memref<1x50x32xf32, #tpu.memory_space<vmem>> -> memref<50x32xf32, #tpu.memory_space<vmem>>
      tpu.enqueue_dma source(%dma_start3A_285 : memref<50x32xf32, #tpu.memory_space<vmem>>) target(%dma_start3A_281 : memref<50x32xf32, #tpu.memory_space<hbm>>) target_semaphore(%run_scoped3A_269 : memref<!tpu.dma_semaphore, #tpu.memory_space<semaphore_mem>>)
      %dma_wait3A_286 = arith.constant 0 : i32
      %dma_wait3A_287 = arith.constant 0 : i32
      %dma_wait3A_288 = tpu.memref_slice %arg6[%run_scoped3A_214, %dma_wait3A_286, %dma_wait3A_287] : memref<8x50x32xf32, #tpu.memory_space<vmem>> -> memref<1x50x32xf32, #tpu.memory_space<vmem>>
      %dma_wait3A_289 = tpu.memref_squeeze %dma_wait3A_288 : memref<1x50x32xf32, #tpu.memory_space<vmem>> -> memref<50x32xf32, #tpu.memory_space<vmem>>
      %dma_wait3A_290 = arith.constant 0 : i32
      %dma_wait3A_291 = arith.constant 0 : i32
      %dma_wait3A_292 = tpu.memref_slice %arg4[%add3A_213, %dma_wait3A_290, %dma_wait3A_291] : memref<16384x56x128xf32, #tpu.memory_space<hbm>> -> memref<1x50x32xf32, #tpu.memory_space<hbm>>
      %dma_wait3A_293 = tpu.memref_squeeze %dma_wait3A_292 : memref<1x50x32xf32, #tpu.memory_space<hbm>> -> memref<50x32xf32, #tpu.memory_space<hbm>>
      %dma_wait3A_294 = arith.constant 0 : i32
      %dma_wait3A_295 = arith.constant 0 : i32
      %dma_wait3A_296 = tpu.memref_slice %arg4[%add3A_213, %dma_wait3A_294, %dma_wait3A_295] : memref<16384x56x128xf32, #tpu.memory_space<hbm>> -> memref<1x50x32xf32, #tpu.memory_space<hbm>>
      %dma_wait3A_297 = tpu.memref_squeeze %dma_wait3A_296 : memref<1x50x32xf32, #tpu.memory_space<hbm>> -> memref<50x32xf32, #tpu.memory_space<hbm>>
      %dma_wait3A_298 = arith.constant 0 : i32
      %dma_wait3A_299 = arith.constant 0 : i32
      %dma_wait3A_300 = tpu.memref_slice %arg6[%run_scoped3A_214, %dma_wait3A_298, %dma_wait3A_299] : memref<8x50x32xf32, #tpu.memory_space<vmem>> -> memref<1x50x32xf32, #tpu.memory_space<vmem>>
      %dma_wait3A_301 = tpu.memref_squeeze %dma_wait3A_300 : memref<1x50x32xf32, #tpu.memory_space<vmem>> -> memref<50x32xf32, #tpu.memory_space<vmem>>
      tpu.wait_dma2 semaphore(%run_scoped3A_269 : memref<!tpu.dma_semaphore, #tpu.memory_space<semaphore_mem>>) src(%dma_wait3A_301 : memref<50x32xf32, #tpu.memory_space<vmem>>) dst(%dma_wait3A_297 : memref<50x32xf32, #tpu.memory_space<hbm>>)
      tpu.yield
    }) : () -> ()
    %dma_wait3A_215 = arith.constant 509 : i32
    %dma_wait3A_216 = arith.constant 5 : i32
    %dma_wait3A_217 = arith.constant 5 : i32
    %dma_wait3A_218 = arith.constant 0 : i32
    %dma_wait3A_219 = arith.constant 0 : i32
    %dma_wait3A_220 = tpu.memref_slice %arg6[%dma_wait3A_216, %dma_wait3A_218, %dma_wait3A_219] : memref<8x50x32xf32, #tpu.memory_space<vmem>> -> memref<1x50x32xf32, #tpu.memory_space<vmem>>
    %dma_wait3A_221 = tpu.memref_squeeze %dma_wait3A_220 : memref<1x50x32xf32, #tpu.memory_space<vmem>> -> memref<50x32xf32, #tpu.memory_space<vmem>>
    %dma_wait3A_222 = arith.constant 0 : i32
    %dma_wait3A_223 = tpu.memref_slice %arg5[%dma_wait3A_215, %dma_wait3A_222] : memref<512x50xi32, #tpu.memory_space<vmem>> -> memref<1x50xi32, #tpu.memory_space<vmem>>
    %dma_wait3A_224 = tpu.memref_squeeze %dma_wait3A_223 : memref<1x50xi32, #tpu.memory_space<vmem>> -> memref<50xi32, #tpu.memory_space<vmem>>
    %dma_wait3A_225 = arith.constant 0 : i32
    %dma_wait3A_226 = arith.constant 0 : i32
    %dma_wait3A_227 = tpu.memref_slice %arg3[%dma_wait3A_225, %dma_wait3A_226] : memref<1000000x32xf32, #tpu.memory_space<hbm>> -> memref<1000000x32xf32, #tpu.memory_space<hbm>>
    %dma_wait3A_228 = tpu.memref_slice %arg7[%dma_wait3A_217] : memref<8x!tpu.dma_semaphore, #tpu.memory_space<semaphore_mem>> -> memref<1x!tpu.dma_semaphore, #tpu.memory_space<semaphore_mem>>
    %dma_wait3A_229 = tpu.memref_squeeze %dma_wait3A_228 : memref<1x!tpu.dma_semaphore, #tpu.memory_space<semaphore_mem>> -> memref<!tpu.dma_semaphore, #tpu.memory_space<semaphore_mem>>
    tpu.wait_indirect_dma semaphore(%dma_wait3A_229 : memref<!tpu.dma_semaphore, #tpu.memory_space<semaphore_mem>>) src(%dma_wait3A_227 : memref<1000000x32xf32, #tpu.memory_space<hbm>>) dst(%dma_wait3A_221 : memref<50x32xf32, #tpu.memory_space<vmem>>)
    %add3A_230 = arith.constant 509 : i32
    %add3A_231 = arith.addi %mul3A_2, %add3A_230 : i32
    %run_scoped3A_232 = arith.constant 5 : i32
    "tpu.region"() ({
      %run_scoped3A_269 = tpu.sem_alloc : memref<!tpu.dma_semaphore, #tpu.memory_space<semaphore_mem>>
      %dma_start3A_270 = arith.constant 0 : i32
      %dma_start3A_271 = arith.constant 0 : i32
      %dma_start3A_272 = tpu.memref_slice %arg6[%run_scoped3A_232, %dma_start3A_270, %dma_start3A_271] : memref<8x50x32xf32, #tpu.memory_space<vmem>> -> memref<1x50x32xf32, #tpu.memory_space<vmem>>
      %dma_start3A_273 = tpu.memref_squeeze %dma_start3A_272 : memref<1x50x32xf32, #tpu.memory_space<vmem>> -> memref<50x32xf32, #tpu.memory_space<vmem>>
      %dma_start3A_274 = arith.constant 0 : i32
      %dma_start3A_275 = arith.constant 0 : i32
      %dma_start3A_276 = tpu.memref_slice %arg4[%add3A_231, %dma_start3A_274, %dma_start3A_275] : memref<16384x56x128xf32, #tpu.memory_space<hbm>> -> memref<1x50x32xf32, #tpu.memory_space<hbm>>
      %dma_start3A_277 = tpu.memref_squeeze %dma_start3A_276 : memref<1x50x32xf32, #tpu.memory_space<hbm>> -> memref<50x32xf32, #tpu.memory_space<hbm>>
      %dma_start3A_278 = arith.constant 0 : i32
      %dma_start3A_279 = arith.constant 0 : i32
      %dma_start3A_280 = tpu.memref_slice %arg4[%add3A_231, %dma_start3A_278, %dma_start3A_279] : memref<16384x56x128xf32, #tpu.memory_space<hbm>> -> memref<1x50x32xf32, #tpu.memory_space<hbm>>
      %dma_start3A_281 = tpu.memref_squeeze %dma_start3A_280 : memref<1x50x32xf32, #tpu.memory_space<hbm>> -> memref<50x32xf32, #tpu.memory_space<hbm>>
      %dma_start3A_282 = arith.constant 0 : i32
      %dma_start3A_283 = arith.constant 0 : i32
      %dma_start3A_284 = tpu.memref_slice %arg6[%run_scoped3A_232, %dma_start3A_282, %dma_start3A_283] : memref<8x50x32xf32, #tpu.memory_space<vmem>> -> memref<1x50x32xf32, #tpu.memory_space<vmem>>
      %dma_start3A_285 = tpu.memref_squeeze %dma_start3A_284 : memref<1x50x32xf32, #tpu.memory_space<vmem>> -> memref<50x32xf32, #tpu.memory_space<vmem>>
      tpu.enqueue_dma source(%dma_start3A_285 : memref<50x32xf32, #tpu.memory_space<vmem>>) target(%dma_start3A_281 : memref<50x32xf32, #tpu.memory_space<hbm>>) target_semaphore(%run_scoped3A_269 : memref<!tpu.dma_semaphore, #tpu.memory_space<semaphore_mem>>)
      %dma_wait3A_286 = arith.constant 0 : i32
      %dma_wait3A_287 = arith.constant 0 : i32
      %dma_wait3A_288 = tpu.memref_slice %arg6[%run_scoped3A_232, %dma_wait3A_286, %dma_wait3A_287] : memref<8x50x32xf32, #tpu.memory_space<vmem>> -> memref<1x50x32xf32, #tpu.memory_space<vmem>>
      %dma_wait3A_289 = tpu.memref_squeeze %dma_wait3A_288 : memref<1x50x32xf32, #tpu.memory_space<vmem>> -> memref<50x32xf32, #tpu.memory_space<vmem>>
      %dma_wait3A_290 = arith.constant 0 : i32
      %dma_wait3A_291 = arith.constant 0 : i32
      %dma_wait3A_292 = tpu.memref_slice %arg4[%add3A_231, %dma_wait3A_290, %dma_wait3A_291] : memref<16384x56x128xf32, #tpu.memory_space<hbm>> -> memref<1x50x32xf32, #tpu.memory_space<hbm>>
      %dma_wait3A_293 = tpu.memref_squeeze %dma_wait3A_292 : memref<1x50x32xf32, #tpu.memory_space<hbm>> -> memref<50x32xf32, #tpu.memory_space<hbm>>
      %dma_wait3A_294 = arith.constant 0 : i32
      %dma_wait3A_295 = arith.constant 0 : i32
      %dma_wait3A_296 = tpu.memref_slice %arg4[%add3A_231, %dma_wait3A_294, %dma_wait3A_295] : memref<16384x56x128xf32, #tpu.memory_space<hbm>> -> memref<1x50x32xf32, #tpu.memory_space<hbm>>
      %dma_wait3A_297 = tpu.memref_squeeze %dma_wait3A_296 : memref<1x50x32xf32, #tpu.memory_space<hbm>> -> memref<50x32xf32, #tpu.memory_space<hbm>>
      %dma_wait3A_298 = arith.constant 0 : i32
      %dma_wait3A_299 = arith.constant 0 : i32
      %dma_wait3A_300 = tpu.memref_slice %arg6[%run_scoped3A_232, %dma_wait3A_298, %dma_wait3A_299] : memref<8x50x32xf32, #tpu.memory_space<vmem>> -> memref<1x50x32xf32, #tpu.memory_space<vmem>>
      %dma_wait3A_301 = tpu.memref_squeeze %dma_wait3A_300 : memref<1x50x32xf32, #tpu.memory_space<vmem>> -> memref<50x32xf32, #tpu.memory_space<vmem>>
      tpu.wait_dma2 semaphore(%run_scoped3A_269 : memref<!tpu.dma_semaphore, #tpu.memory_space<semaphore_mem>>) src(%dma_wait3A_301 : memref<50x32xf32, #tpu.memory_space<vmem>>) dst(%dma_wait3A_297 : memref<50x32xf32, #tpu.memory_space<hbm>>)
      tpu.yield
    }) : () -> ()
    %dma_wait3A_233 = arith.constant 510 : i32
    %dma_wait3A_234 = arith.constant 6 : i32
    %dma_wait3A_235 = arith.constant 6 : i32
    %dma_wait3A_236 = arith.constant 0 : i32
    %dma_wait3A_237 = arith.constant 0 : i32
    %dma_wait3A_238 = tpu.memref_slice %arg6[%dma_wait3A_234, %dma_wait3A_236, %dma_wait3A_237] : memref<8x50x32xf32, #tpu.memory_space<vmem>> -> memref<1x50x32xf32, #tpu.memory_space<vmem>>
    %dma_wait3A_239 = tpu.memref_squeeze %dma_wait3A_238 : memref<1x50x32xf32, #tpu.memory_space<vmem>> -> memref<50x32xf32, #tpu.memory_space<vmem>>
    %dma_wait3A_240 = arith.constant 0 : i32
    %dma_wait3A_241 = tpu.memref_slice %arg5[%dma_wait3A_233, %dma_wait3A_240] : memref<512x50xi32, #tpu.memory_space<vmem>> -> memref<1x50xi32, #tpu.memory_space<vmem>>
    %dma_wait3A_242 = tpu.memref_squeeze %dma_wait3A_241 : memref<1x50xi32, #tpu.memory_space<vmem>> -> memref<50xi32, #tpu.memory_space<vmem>>
    %dma_wait3A_243 = arith.constant 0 : i32
    %dma_wait3A_244 = arith.constant 0 : i32
    %dma_wait3A_245 = tpu.memref_slice %arg3[%dma_wait3A_243, %dma_wait3A_244] : memref<1000000x32xf32, #tpu.memory_space<hbm>> -> memref<1000000x32xf32, #tpu.memory_space<hbm>>
    %dma_wait3A_246 = tpu.memref_slice %arg7[%dma_wait3A_235] : memref<8x!tpu.dma_semaphore, #tpu.memory_space<semaphore_mem>> -> memref<1x!tpu.dma_semaphore, #tpu.memory_space<semaphore_mem>>
    %dma_wait3A_247 = tpu.memref_squeeze %dma_wait3A_246 : memref<1x!tpu.dma_semaphore, #tpu.memory_space<semaphore_mem>> -> memref<!tpu.dma_semaphore, #tpu.memory_space<semaphore_mem>>
    tpu.wait_indirect_dma semaphore(%dma_wait3A_247 : memref<!tpu.dma_semaphore, #tpu.memory_space<semaphore_mem>>) src(%dma_wait3A_245 : memref<1000000x32xf32, #tpu.memory_space<hbm>>) dst(%dma_wait3A_239 : memref<50x32xf32, #tpu.memory_space<vmem>>)
    %add3A_248 = arith.constant 510 : i32
    %add3A_249 = arith.addi %mul3A_2, %add3A_248 : i32
    %run_scoped3A_250 = arith.constant 6 : i32
    "tpu.region"() ({
      %run_scoped3A_269 = tpu.sem_alloc : memref<!tpu.dma_semaphore, #tpu.memory_space<semaphore_mem>>
      %dma_start3A_270 = arith.constant 0 : i32
      %dma_start3A_271 = arith.constant 0 : i32
      %dma_start3A_272 = tpu.memref_slice %arg6[%run_scoped3A_250, %dma_start3A_270, %dma_start3A_271] : memref<8x50x32xf32, #tpu.memory_space<vmem>> -> memref<1x50x32xf32, #tpu.memory_space<vmem>>
      %dma_start3A_273 = tpu.memref_squeeze %dma_start3A_272 : memref<1x50x32xf32, #tpu.memory_space<vmem>> -> memref<50x32xf32, #tpu.memory_space<vmem>>
      %dma_start3A_274 = arith.constant 0 : i32
      %dma_start3A_275 = arith.constant 0 : i32
      %dma_start3A_276 = tpu.memref_slice %arg4[%add3A_249, %dma_start3A_274, %dma_start3A_275] : memref<16384x56x128xf32, #tpu.memory_space<hbm>> -> memref<1x50x32xf32, #tpu.memory_space<hbm>>
      %dma_start3A_277 = tpu.memref_squeeze %dma_start3A_276 : memref<1x50x32xf32, #tpu.memory_space<hbm>> -> memref<50x32xf32, #tpu.memory_space<hbm>>
      %dma_start3A_278 = arith.constant 0 : i32
      %dma_start3A_279 = arith.constant 0 : i32
      %dma_start3A_280 = tpu.memref_slice %arg4[%add3A_249, %dma_start3A_278, %dma_start3A_279] : memref<16384x56x128xf32, #tpu.memory_space<hbm>> -> memref<1x50x32xf32, #tpu.memory_space<hbm>>
      %dma_start3A_281 = tpu.memref_squeeze %dma_start3A_280 : memref<1x50x32xf32, #tpu.memory_space<hbm>> -> memref<50x32xf32, #tpu.memory_space<hbm>>
      %dma_start3A_282 = arith.constant 0 : i32
      %dma_start3A_283 = arith.constant 0 : i32
      %dma_start3A_284 = tpu.memref_slice %arg6[%run_scoped3A_250, %dma_start3A_282, %dma_start3A_283] : memref<8x50x32xf32, #tpu.memory_space<vmem>> -> memref<1x50x32xf32, #tpu.memory_space<vmem>>
      %dma_start3A_285 = tpu.memref_squeeze %dma_start3A_284 : memref<1x50x32xf32, #tpu.memory_space<vmem>> -> memref<50x32xf32, #tpu.memory_space<vmem>>
      tpu.enqueue_dma source(%dma_start3A_285 : memref<50x32xf32, #tpu.memory_space<vmem>>) target(%dma_start3A_281 : memref<50x32xf32, #tpu.memory_space<hbm>>) target_semaphore(%run_scoped3A_269 : memref<!tpu.dma_semaphore, #tpu.memory_space<semaphore_mem>>)
      %dma_wait3A_286 = arith.constant 0 : i32
      %dma_wait3A_287 = arith.constant 0 : i32
      %dma_wait3A_288 = tpu.memref_slice %arg6[%run_scoped3A_250, %dma_wait3A_286, %dma_wait3A_287] : memref<8x50x32xf32, #tpu.memory_space<vmem>> -> memref<1x50x32xf32, #tpu.memory_space<vmem>>
      %dma_wait3A_289 = tpu.memref_squeeze %dma_wait3A_288 : memref<1x50x32xf32, #tpu.memory_space<vmem>> -> memref<50x32xf32, #tpu.memory_space<vmem>>
      %dma_wait3A_290 = arith.constant 0 : i32
      %dma_wait3A_291 = arith.constant 0 : i32
      %dma_wait3A_292 = tpu.memref_slice %arg4[%add3A_249, %dma_wait3A_290, %dma_wait3A_291] : memref<16384x56x128xf32, #tpu.memory_space<hbm>> -> memref<1x50x32xf32, #tpu.memory_space<hbm>>
      %dma_wait3A_293 = tpu.memref_squeeze %dma_wait3A_292 : memref<1x50x32xf32, #tpu.memory_space<hbm>> -> memref<50x32xf32, #tpu.memory_space<hbm>>
      %dma_wait3A_294 = arith.constant 0 : i32
      %dma_wait3A_295 = arith.constant 0 : i32
      %dma_wait3A_296 = tpu.memref_slice %arg4[%add3A_249, %dma_wait3A_294, %dma_wait3A_295] : memref<16384x56x128xf32, #tpu.memory_space<hbm>> -> memref<1x50x32xf32, #tpu.memory_space<hbm>>
      %dma_wait3A_297 = tpu.memref_squeeze %dma_wait3A_296 : memref<1x50x32xf32, #tpu.memory_space<hbm>> -> memref<50x32xf32, #tpu.memory_space<hbm>>
      %dma_wait3A_298 = arith.constant 0 : i32
      %dma_wait3A_299 = arith.constant 0 : i32
      %dma_wait3A_300 = tpu.memref_slice %arg6[%run_scoped3A_250, %dma_wait3A_298, %dma_wait3A_299] : memref<8x50x32xf32, #tpu.memory_space<vmem>> -> memref<1x50x32xf32, #tpu.memory_space<vmem>>
      %dma_wait3A_301 = tpu.memref_squeeze %dma_wait3A_300 : memref<1x50x32xf32, #tpu.memory_space<vmem>> -> memref<50x32xf32, #tpu.memory_space<vmem>>
      tpu.wait_dma2 semaphore(%run_scoped3A_269 : memref<!tpu.dma_semaphore, #tpu.memory_space<semaphore_mem>>) src(%dma_wait3A_301 : memref<50x32xf32, #tpu.memory_space<vmem>>) dst(%dma_wait3A_297 : memref<50x32xf32, #tpu.memory_space<hbm>>)
      tpu.yield
    }) : () -> ()
    %dma_wait3A_251 = arith.constant 511 : i32
    %dma_wait3A_252 = arith.constant 7 : i32
    %dma_wait3A_253 = arith.constant 7 : i32
    %dma_wait3A_254 = arith.constant 0 : i32
    %dma_wait3A_255 = arith.constant 0 : i32
    %dma_wait3A_256 = tpu.memref_slice %arg6[%dma_wait3A_252, %dma_wait3A_254, %dma_wait3A_255] : memref<8x50x32xf32, #tpu.memory_space<vmem>> -> memref<1x50x32xf32, #tpu.memory_space<vmem>>
    %dma_wait3A_257 = tpu.memref_squeeze %dma_wait3A_256 : memref<1x50x32xf32, #tpu.memory_space<vmem>> -> memref<50x32xf32, #tpu.memory_space<vmem>>
    %dma_wait3A_258 = arith.constant 0 : i32
    %dma_wait3A_259 = tpu.memref_slice %arg5[%dma_wait3A_251, %dma_wait3A_258] : memref<512x50xi32, #tpu.memory_space<vmem>> -> memref<1x50xi32, #tpu.memory_space<vmem>>
    %dma_wait3A_260 = tpu.memref_squeeze %dma_wait3A_259 : memref<1x50xi32, #tpu.memory_space<vmem>> -> memref<50xi32, #tpu.memory_space<vmem>>
    %dma_wait3A_261 = arith.constant 0 : i32
    %dma_wait3A_262 = arith.constant 0 : i32
    %dma_wait3A_263 = tpu.memref_slice %arg3[%dma_wait3A_261, %dma_wait3A_262] : memref<1000000x32xf32, #tpu.memory_space<hbm>> -> memref<1000000x32xf32, #tpu.memory_space<hbm>>
    %dma_wait3A_264 = tpu.memref_slice %arg7[%dma_wait3A_253] : memref<8x!tpu.dma_semaphore, #tpu.memory_space<semaphore_mem>> -> memref<1x!tpu.dma_semaphore, #tpu.memory_space<semaphore_mem>>
    %dma_wait3A_265 = tpu.memref_squeeze %dma_wait3A_264 : memref<1x!tpu.dma_semaphore, #tpu.memory_space<semaphore_mem>> -> memref<!tpu.dma_semaphore, #tpu.memory_space<semaphore_mem>>
    tpu.wait_indirect_dma semaphore(%dma_wait3A_265 : memref<!tpu.dma_semaphore, #tpu.memory_space<semaphore_mem>>) src(%dma_wait3A_263 : memref<1000000x32xf32, #tpu.memory_space<hbm>>) dst(%dma_wait3A_257 : memref<50x32xf32, #tpu.memory_space<vmem>>)
    %add3A_266 = arith.constant 511 : i32
    %add3A_267 = arith.addi %mul3A_2, %add3A_266 : i32
    %run_scoped3A_268 = arith.constant 7 : i32
    "tpu.region"() ({
      %run_scoped3A_269 = tpu.sem_alloc : memref<!tpu.dma_semaphore, #tpu.memory_space<semaphore_mem>>
      %dma_start3A_270 = arith.constant 0 : i32
      %dma_start3A_271 = arith.constant 0 : i32
      %dma_start3A_272 = tpu.memref_slice %arg6[%run_scoped3A_268, %dma_start3A_270, %dma_start3A_271] : memref<8x50x32xf32, #tpu.memory_space<vmem>> -> memref<1x50x32xf32, #tpu.memory_space<vmem>>
      %dma_start3A_273 = tpu.memref_squeeze %dma_start3A_272 : memref<1x50x32xf32, #tpu.memory_space<vmem>> -> memref<50x32xf32, #tpu.memory_space<vmem>>
      %dma_start3A_274 = arith.constant 0 : i32
      %dma_start3A_275 = arith.constant 0 : i32
      %dma_start3A_276 = tpu.memref_slice %arg4[%add3A_267, %dma_start3A_274, %dma_start3A_275] : memref<16384x56x128xf32, #tpu.memory_space<hbm>> -> memref<1x50x32xf32, #tpu.memory_space<hbm>>
      %dma_start3A_277 = tpu.memref_squeeze %dma_start3A_276 : memref<1x50x32xf32, #tpu.memory_space<hbm>> -> memref<50x32xf32, #tpu.memory_space<hbm>>
      %dma_start3A_278 = arith.constant 0 : i32
      %dma_start3A_279 = arith.constant 0 : i32
      %dma_start3A_280 = tpu.memref_slice %arg4[%add3A_267, %dma_start3A_278, %dma_start3A_279] : memref<16384x56x128xf32, #tpu.memory_space<hbm>> -> memref<1x50x32xf32, #tpu.memory_space<hbm>>
      %dma_start3A_281 = tpu.memref_squeeze %dma_start3A_280 : memref<1x50x32xf32, #tpu.memory_space<hbm>> -> memref<50x32xf32, #tpu.memory_space<hbm>>
      %dma_start3A_282 = arith.constant 0 : i32
      %dma_start3A_283 = arith.constant 0 : i32
      %dma_start3A_284 = tpu.memref_slice %arg6[%run_scoped3A_268, %dma_start3A_282, %dma_start3A_283] : memref<8x50x32xf32, #tpu.memory_space<vmem>> -> memref<1x50x32xf32, #tpu.memory_space<vmem>>
      %dma_start3A_285 = tpu.memref_squeeze %dma_start3A_284 : memref<1x50x32xf32, #tpu.memory_space<vmem>> -> memref<50x32xf32, #tpu.memory_space<vmem>>
      tpu.enqueue_dma source(%dma_start3A_285 : memref<50x32xf32, #tpu.memory_space<vmem>>) target(%dma_start3A_281 : memref<50x32xf32, #tpu.memory_space<hbm>>) target_semaphore(%run_scoped3A_269 : memref<!tpu.dma_semaphore, #tpu.memory_space<semaphore_mem>>)
      %dma_wait3A_286 = arith.constant 0 : i32
      %dma_wait3A_287 = arith.constant 0 : i32
      %dma_wait3A_288 = tpu.memref_slice %arg6[%run_scoped3A_268, %dma_wait3A_286, %dma_wait3A_287] : memref<8x50x32xf32, #tpu.memory_space<vmem>> -> memref<1x50x32xf32, #tpu.memory_space<vmem>>
      %dma_wait3A_289 = tpu.memref_squeeze %dma_wait3A_288 : memref<1x50x32xf32, #tpu.memory_space<vmem>> -> memref<50x32xf32, #tpu.memory_space<vmem>>
      %dma_wait3A_290 = arith.constant 0 : i32
      %dma_wait3A_291 = arith.constant 0 : i32
      %dma_wait3A_292 = tpu.memref_slice %arg4[%add3A_267, %dma_wait3A_290, %dma_wait3A_291] : memref<16384x56x128xf32, #tpu.memory_space<hbm>> -> memref<1x50x32xf32, #tpu.memory_space<hbm>>
      %dma_wait3A_293 = tpu.memref_squeeze %dma_wait3A_292 : memref<1x50x32xf32, #tpu.memory_space<hbm>> -> memref<50x32xf32, #tpu.memory_space<hbm>>
      %dma_wait3A_294 = arith.constant 0 : i32
      %dma_wait3A_295 = arith.constant 0 : i32
      %dma_wait3A_296 = tpu.memref_slice %arg4[%add3A_267, %dma_wait3A_294, %dma_wait3A_295] : memref<16384x56x128xf32, #tpu.memory_space<hbm>> -> memref<1x50x32xf32, #tpu.memory_space<hbm>>
      %dma_wait3A_297 = tpu.memref_squeeze %dma_wait3A_296 : memref<1x50x32xf32, #tpu.memory_space<hbm>> -> memref<50x32xf32, #tpu.memory_space<hbm>>
      %dma_wait3A_298 = arith.constant 0 : i32
      %dma_wait3A_299 = arith.constant 0 : i32
      %dma_wait3A_300 = tpu.memref_slice %arg6[%run_scoped3A_268, %dma_wait3A_298, %dma_wait3A_299] : memref<8x50x32xf32, #tpu.memory_space<vmem>> -> memref<1x50x32xf32, #tpu.memory_space<vmem>>
      %dma_wait3A_301 = tpu.memref_squeeze %dma_wait3A_300 : memref<1x50x32xf32, #tpu.memory_space<vmem>> -> memref<50x32xf32, #tpu.memory_space<vmem>>
      tpu.wait_dma2 semaphore(%run_scoped3A_269 : memref<!tpu.dma_semaphore, #tpu.memory_space<semaphore_mem>>) src(%dma_wait3A_301 : memref<50x32xf32, #tpu.memory_space<vmem>>) dst(%dma_wait3A_297 : memref<50x32xf32, #tpu.memory_space<hbm>>)
      tpu.yield
    }) : () -> ()
    return
  }
}

</mosaic_0001>

<sc_bundles>
// kernel: kernel.3.cloned.1.call-start
scs
__scs_entry_jumppad:
0x0: {  	(pc) =	sbr.rel $0x88, $3  }
0x1: {  	(tag) =	ssettag $0x0;
	lr =	simm.s32 $0x1  }
0x2: {  	[smem:$0x3F9F] =	sst lr;
	_ =	strace $0xD0000000  }
0x3: {  	_ = 	snop  }
0x4: {  	_ = 	snop  }
0x5: {  	_ = 	snop  }
0x6: {  	_ = 	snop  }
0x7: {  	_ = 	snop  }
__scs_overlays_trampoline_lowered:
0x8: {  	[smem:$0x3FAE] =	sst s0  }
0x9: {  	[smem:$0x3FAF] =	sst s1  }
0xa: {  	[smem:$0x3FB0] =	sst s2  }
0xb: {  	[smem:$0x3FB1] =	sst s3  }
0xc: {  	[smem:$0x3FB2] =	sst s4  }
0xd: {  	[smem:$0x3FB3] =	sst s5  }
0xe: {  	[smem:$0x3FB4] =	sst s6  }
0xf: {  	[smem:$0x3FB5] =	sst s7  }
0x10: {  	[smem:$0x3FB6] =	sst s8  }
0x11: {  	[smem:$0x3FB7] =	sst s9;
	s0 =	simm.s32 @!p0 $0x0  }
0x12: {  	s1 =	sld [smem:$0x3F9D];
	s0 =	simm.s32 @p0 $0x1  }
0x13: {  	[smem:$0x3FB8] =	sst s0;
	s0 =	simm.s32 @!p1 $0x0  }
0x14: {  	s2 =	sld [smem:$0x3F9C];
	s0 =	simm.s32 @p1 $0x1  }
0x15: {  	[smem:$0x3FB9] =	sst s0;
	s0 =	simm.s32 @!p2 $0x0  }
0x16: {  	s3 =	sld [smem:$0x3FDB];
	s0 =	simm.s32 @p2 $0x1  }
0x17: {  	s4 =	simm.s32 $0x1BF5;
	[smem:$0x3FBB] =	sst s0  }
0x18: {  	s0 =	sld [smem:$0x3F9E];
	_ =	swait.ge [sflag:s4], $0x0  }
0x19: {  	s7 =	sld [smem:$0x3F9F]  }
0x1a: {  	s8 =	sadd.s32 $0xFFFFE003, lr  }
0x1b: {  	s9 =	sadd.s32 $0xFFFFFEF7, lr;
	s5 =	simm.s32 $0xFFFFFFFF;
	p2 =	slt.u32 s8, $0xFFFFF086  }
0x1c: {  	p1 =	slt.u32 s9, $0xF7A;
	s5 =	simm.s32 @!p2 $0x0  }
0x1d: {  	s5 =	simm.s32 @p1 $0x1;
	p0 =	seq.s32 s7, s2  }
0x1e: {  	s7 =	smul.u32 @!p0 $0xF7A, s2;
	p2 =	seq.s32 @!p0 s5, $0x0  }
0x1f: {  	s9 =	smul.u32 $0xF7A, s1;
	s8 =	simm.s32 @!p0 $0x1BF5;
	p2 =	por !p2, p0  }
0x20: {  	[sflag:s8] =	ssyncset.s32 @!p0 $0xFFFFF086;
	s6 =	sadd.s32 @!p0 s3, s7;
	s7 =	simm.s32 @!p0 $0x108  }
0x21: {  	s3 =	sadd.s32 s3, s9;
	s6 =	sadd.s32 @!p0 $0x88, s6;
	s7 =	simm.s32 @p2 $0x1082  }
0x22: {  	[simem:s7], [sflag:s8] =	dma.local @!p0 [hbm:s6], $0xF7A  }
0x23: {  	s9 =	sor.u32 $0xD0000000, s2;
	s6 =	simm.s32 $0x108;
	_ =	swait.ge @!p0 [sflag:s8], $0x0  }
0x24: {  	s3 =	sadd.s32 $0x88, s3;
	s6 =	simm.s32 @!p1 $0x1082;
	[sflag:s4] =	ssyncset.s32 $0xFFFFF086  }
0x25: {  	[simem:s6], [sflag:s4] =	dma.local [hbm:s3], $0xF7A  }
0x26: {  	[smem:$0x3F9F] =	sst s1;
	(tag) =	ssettag s2;
	_ =	strace s9  }
0x27: {  	s1 =	sld [smem:$0x3FAF]  }
0x28: {  	s2 =	sld [smem:$0x3FB0]  }
0x29: {  	s4 =	sld [smem:$0x3FB2]  }
0x2a: {  	p0 =	seq.s32 s5, $0x0;
	s5 =	sld [smem:$0x3FB3]  }
0x2b: {  	s6 =	sld [smem:$0x3FB4]  }
0x2c: {  	s7 =	sld [smem:$0x3FB5]  }
0x2d: {  	s3 =	simm.s32 $0x108;
	s8 =	sld [smem:$0x3FB6]  }
0x2e: {  	s3 =	simm.s32 @!p0 $0x1082;
	s9 =	sld [smem:$0x3FB7]  }
0x2f: {  	lr =	sadd.s32 s0, s3;
	s0 =	sld [smem:$0x3FAE]  }
0x30: {  	s3 =	sld [smem:$0x3FB1]  }
0x31: {  	[smem:$0x3FBA] =	sst s10  }
0x32: {  	s10 =	sld [smem:$0x3FB8];
	_ =	sdelay $0x3  }
0x33: {  	p0 =	seq.s32 s10, $0x1;
	s10 =	sld [smem:$0x3FBA];
	_ =	sdelay $0x3  }
0x34: {  	[smem:$0x3FBA] =	sst s10  }
0x35: {  	s10 =	sld [smem:$0x3FB9];
	_ =	sdelay $0x3  }
0x36: {  	p1 =	seq.s32 s10, $0x1;
	s10 =	sld [smem:$0x3FBA];
	_ =	sdelay $0x3  }
0x37: {  	[smem:$0x3FBA] =	sst s10  }
0x38: {  	s10 =	sld [smem:$0x3FBB]  }
0x39: {  	_ = 	snop;
	(pc) =	sbr.ind lr, $3  }
0x3a: {  	_ = 	snop  }
0x3b: {  	_ = 	snop  }
0x3c: {  	p2 =	seq.s32 s10, $0x1;
	s10 =	sld [smem:$0x3FBA]  }
0x3d: {  	_ =	shalt  }
0x3e: {  	_ =	shalt  }
0x3f: {  	_ =	shalt  }
0x40: {  	_ =	shalt  }
0x41: {  	_ =	shalt  }
0x42: {  	_ =	shalt  }
0x43: {  	_ =	shalt  }
0x44: {  	_ =	shalt  }
0x45: {  	_ =	shalt  }
0x46: {  	_ =	shalt  }
0x47: {  	_ =	shalt  }
0x48: {  	_ =	shalt  }
0x49: {  	_ =	shalt  }
0x4a: {  	_ =	shalt  }
0x4b: {  	_ =	shalt  }
0x4c: {  	_ =	shalt  }
0x4d: {  	_ =	shalt  }
0x4e: {  	_ =	shalt  }
0x4f: {  	_ =	shalt  }
0x50: {  	_ =	shalt  }
0x51: {  	_ =	shalt  }
0x52: {  	_ =	shalt  }
0x53: {  	_ =	shalt  }
0x54: {  	_ =	shalt  }
0x55: {  	_ =	shalt  }
0x56: {  	_ =	shalt  }
0x57: {  	_ =	shalt  }
0x58: {  	_ =	shalt  }
0x59: {  	_ =	shalt  }
0x5a: {  	_ =	shalt  }
0x5b: {  	_ =	shalt  }
0x5c: {  	_ =	shalt  }
0x5d: {  	_ =	shalt  }
0x5e: {  	_ =	shalt  }
0x5f: {  	_ =	shalt  }
0x60: {  	_ =	shalt  }
0x61: {  	_ =	shalt  }
0x62: {  	_ =	shalt  }
0x63: {  	_ =	shalt  }
0x64: {  	_ =	shalt  }
0x65: {  	_ =	shalt  }
0x66: {  	_ =	shalt  }
0x67: {  	_ =	shalt  }
0x68: {  	_ =	shalt  }
0x69: {  	_ =	shalt  }
0x6a: {  	_ =	shalt  }
0x6b: {  	_ =	shalt  }
0x6c: {  	_ =	shalt  }
0x6d: {  	_ =	shalt  }
0x6e: {  	_ =	shalt  }
0x6f: {  	_ =	shalt  }
0x70: {  	_ =	shalt  }
0x71: {  	_ =	shalt  }
0x72: {  	_ =	shalt  }
0x73: {  	_ =	shalt  }
0x74: {  	_ =	shalt  }
0x75: {  	_ =	shalt  }
0x76: {  	_ =	shalt  }
0x77: {  	_ =	shalt  }
0x78: {  	_ =	shalt  }
0x79: {  	_ =	shalt  }
0x7a: {  	_ =	shalt  }
0x7b: {  	_ =	shalt  }
0x7c: {  	_ =	shalt  }
0x7d: {  	_ =	shalt  }
0x7e: {  	_ =	shalt  }
0x7f: {  	_ =	shalt  }
0x80: {  	_ =	shalt  }
0x81: {  	_ =	shalt  }
0x82: {  	_ =	shalt  }
0x83: {  	_ =	shalt  }
0x84: {  	_ =	shalt  }
0x85: {  	_ =	shalt  }
0x86: {  	_ =	shalt  }
0x87: {  	_ =	shalt  }
.Lfunc_end0:
.L_simem_size_0:
called_computation.1_lowered:
.L_overlay_start_0:
0x88: {  	s2 =	sld [smem:$0x3FD9]  }
0x89: {  	s3 =	sld [smem:$0x3FFE];
	_ =	sdelay $0x1  }
0x8a: {  	s1 =	srdreg.scid  }
0x8b: {  	s0 =	sand.u32 $0x1, s1  }
0x8c: {  	s17 =	sshll.u32 s0, $0xA;
	s2 =	sadd.s32 s3, s2  }
0x8d: {  	s2 =	sadd.s32 s2, s17  }
0x8e: {  	[smem:$0x3FC6] =	sst s2  }
0x8f: {  	_ = 	snop  }
0x90: {  	s2 =	sld [smem:$0x3FD0];
	(tm) =	ssettm $0x1  }
0x91: {  	s18 =	sld [smem:$0x3FFB];
	_ =	sdelay $0x3  }
0x92: {  	_ =	strace s18  }
0x93: {  	s3 =	sld [smem:$0x3FFC];
	_ =	sdelay $0x3  }
0x94: {  	_ =	strace s3  }
0x95: {  	s3 =	sld [smem:$0x3FFD];
	_ =	sdelay $0x3  }
0x96: {  	_ =	strace s3  }
0x97: {  	_ =	strace $0x8FFFFFFF  }
0x98: {  	s19 =	sld [smem:$0x3FDB];
	_ =	sdelay $0x1  }
0x99: {  	s4 =	simm.s32 $_scs_section_size  }
0x9a: {  	s5 =	simm.s32 $_size__tile_overlayer_lowered;
	s6 =	simm.s32 $_tile_overlayer_lowered  }
0x9b: {  	s22 =	simm.s32 $0x1BFF;
	s21 =	sshll.u32 s6, $0x1;
	s3 =	sadd.s32 s4, s19  }
0x9c: {  	s7 =	simm.s32 $0x0;
	s20 =	sshll.u32 s5, $0x1;
	s5 =	sadd.s32 s21, s3  }
0x9d: {  	[timem:s7], [sflag:s22] =	dma.local [hbm:s5], s20  }
0x9e: {  	_ =	swait.ge [sflag:s22], s20  }
0x9f: {  	s4 =	ssub.s32 $0x0, s20;
	[sflag:s22] =	ssyncset.done $0x0  }
0xa0: {  	[sflag:s22] =	ssyncadd.s32 s4;
	_ =	sdelay $0x1  }
0xa1: {  	s23 =	simm.s32 $0x1B8B  }
0xa2: {  	_ =	swait.ge [sflag:s23], $0x1  }
0xa3: {  	[sflag:s23] =	ssyncset.done $0x0  }
0xa4: {  	s25 =	simm.s32 $0x1B8E;
	s24 =	sld [smem:$0x3FFE];
	[sflag:s23] =	ssyncadd.s32 $0xFFFFFFFF  }
0xa5: {  	s26 =	simm.s32 $execute0_lowered;
	[smem:$0x3FD2] =	sst s25  }
0xa6: {  	s5 =	sshll.u32 s26, $0x1;
	_ =	strace $0x80000046;
	[dreg:$0x1] =	wrdreg $0xFFFFFFFF  }
0xa7: {  	s28 =	simm.s32 $_size_execute0_lowered;
	s3 =	sadd.s32 s3, s5;
	[dreg:$0x0] =	wrdreg $0x0  }
0xa8: {  	s5 =	sshll.u32 s28, $0x1;
	[dreg:$0x2] =	wrdreg s3  }
0xa9: {  	[dreg:$0x3] =	wrdreg s5  }
0xaa: {  	[dreg:$0x4] =	wrdreg $0xC0  }
0xab: {  	_ =	task [dreg:s7], $0x5FFFF  }
0xac: {  	[dreg:$0x1] =	wrdreg $0xFFFFFFFF  }
0xad: {  	[dreg:$0x0] =	wrdreg $0x60  }
0xae: {  	[dreg:$0x2] =	wrdreg s2  }
0xaf: {  	[dreg:$0x3] =	wrdreg s24  }
0xb0: {  	[dreg:$0x4] =	wrdreg $0x9  }
0xb1: {  	_ =	task.clear_ibuf [dreg:s7], $0x5FFFF;
	_ =	strace $0x90000046  }
0xb2: {  	s29 =	simm.s32 $0x9;
	_ =	strace $0x80000048  }
0xb3: {  	_ =	swait.ge [sflag:s29], $0x1  }
0xb4: {  	[sflag:s29] =	ssyncadd.s32 $0xFFFFFFFF  }
0xb5: {  	_ =	strace $0x90000048  }
0xb6: {  	_ =	sfence  }
0xb7: {  	s30 =	sld [smem:$0x0];
	_ =	sdelay $0x2  }
0xb8: {  	s31 =	sshll.u32 s1, $0xD;
	s1 =	sshrl.u32 s1, $0x2  }
0xb9: {  	s3 =	sand.u32 $0x4000, s31;
	s1 =	sadd.s32 s1, s30  }
0xba: {  	s0 =	sor.u32 s3, s0;
	s1 =	sshll.u32 s1, $0x11  }
0xbb: {  	s0 =	sor.u32 s1, s0  }
0xbc: {  	s0 =	sadd.s32 $0x8F2B, s0  }
0xbd: {  	[sflag:s0] =	ssyncadd.remote.s32 $0x1  }
0xbe: {  	_ =	sfence.sel $0xFFFF  }
0xbf: {  	[dreg:$0x0] =	wrdreg $0xFFFFFFFF;
	(pc) =	sbr.abs _section_cstart, $3  }
0xc0: {  	[dreg:$0x1] =	wrdreg $0xFFFFFFFF  }
0xc1: {  	_ =	task.clear_ibuf [dreg:s7], $0x2FFFF;
	_ =	strace $0x9FFFFFFF  }
0xc2: {  	(tm) =	ssettm $0x7FFFFFFF  }
0xc3: {  	_ =	shalt  }
tec
execute0_lowered:
.L_overlay_start_1:
0x0: {  	(tag) =	ssettag $0x1  }
0x1: {  	s0 =	srdreg.scid;
	s1 =	rddreg [dreg:$0x0]  }
0x2: {  	s9 =	stileid.u32;
	s2 =	rddreg [dreg:$0x1]  }
0x3: {  	s5 =	simm.s32 $0x0;
	s15 =	simm.s32 $0x9;
	s16 =	simm.s32 $0x32  }
0x4: {  	s17 =	simm.s32 $0x7000;
	s28 =	simm.s32 $0x8F40;
	s30 =	simm.s32 $0x9580  }
0x5: {  	s18 =	simm.s32 $0x20;
	s29 =	simm.s32 $0x5;
	s31 =	simm.s32 $0x6  }
0x6: {  	s0 =	sand.u32 $0x1, s0;
	s3 =	sshll.u32 s9, $0xA;
	[smem:$0x7FF] =	sst s5  }
0x7: {  	s19 =	sadd.s32 $0xA00, s2;
	s25 =	smul.u32 $0xE0000, s9;
	s4 =	sshll.u32 s0, $0x9  }
0x8: {  	s6 =	ssub.s32 $0x2, s0;
	s0 =	smul.u32 $0x70000, s0;
	s3 =	sor.u32 s4, s3  }
0x9: {  	s5 =	simm.s32 $0x0;
	s7 =	sshrl.u32 s6, $0x1;
	s4 =	smul.u32 $0x1C00, s3  }
0xa: {  	_ =	strace $0x80000047;
	s8 =	smul.u32 $0x7, s3;
	s20 =	ssub.s32 s6, s7  }
0xb: {  	s3 =	sadd.s32 $0xF42E00, s2;
	s2 =	simm.s32 $0x7;
	s13 =	smax.u32 s20, $0x1  }
0xc: {  	s20 =	simm.s32 $0x80;
	s4 =	sshrl.u32 s4, $0x3;
	s1 =	sadd.s32 s1, s8  }
0xd: {  	s4 =	sadd.s32 s19, s4;
	[dreg:$0x3] =	wrdreg s1;
	s1 =	sadd.s32 s25, s19  }
0xe: {  	s19 =	simm.s32 $0x7640;
	s25 =	simm.s32 $0x8900;
	s21 =	sadd.s32 $0x6E400, s4  }
0xf: {  	s22 =	sadd.s32 $0x6E780, s4;
	s23 =	sadd.s32 $0x6EB00, s4;
	s24 =	sadd.s32 $0x6EE80, s4  }
0x10: {  	s26 =	sadd.s32 $0x6F200, s4;
	s10 =	sadd.s32 $0x6F580, s4;
	[dreg:$0x4] =	wrdreg s21  }
0x11: {  	s11 =	sadd.s32 $0x6F900, s4;
	s12 =	sadd.s32 $0x6FC80, s4;
	[dreg:$0x5] =	wrdreg s22  }
0x12: {  	s14 =	sadd.s32 s0, s1;
	s1 =	simm.s32 $0x9BC0;
	[dreg:$0x6] =	wrdreg s23  }
0x13: {  	s0 =	simm.s32 $0x1;
	s4 =	simm.s32 $0x8;
	[dreg:$0x7] =	wrdreg s24  }
0x14: {  	[dreg:$0x8] =	wrdreg s26;
	s21 =	simm.s32 $0x7C80;
	s23 =	simm.s32 $0x82C0  }
0x15: {  	s22 =	simm.s32 $0x2;
	s24 =	simm.s32 $0x3;
	s26 =	simm.s32 $0x4  }
.LBB2_1:
0x16: {  	s6 =	simm.s32 $0x0;
	s7 =	rddreg [dreg:$0x3]  }
0x17: {  	[tilespmem:s6], [sflag:$0x9] =	stream.linear.gather [hbm4b:s7+s6], $0x7000, $0x38;
	[tilespmem:$0xA200] =	vst v63  }
0x18: {  	_ =	swait.ge [sflag:s15], $0x7000  }
0x19: {  	[sflag:s15] =	ssyncset.done $0x0  }
0x1a: {  	[sflag:s15] =	ssyncadd.s32 $0xFFFF9000  }
0x1b: {  	[tilespmem:s17], [sflag:$0x1] =	stream.indirect.gather [hbm4b:s3+s16], $0x20, s6, s16, $0xb8;
	[tilespmem:$0xA200] =	vst v63  }
0x1c: {  	s7 =	simm.s32 $0x38  }
0x1d: {  	[tilespmem:s19], [sflag:$0x2] =	stream.indirect.gather [hbm4b:s3+s16], $0x20, s7, s16, $0xb8;
	[tilespmem:$0xA200] =	vst v63  }
0x1e: {  	s8 =	simm.s32 $0x70  }
0x1f: {  	[tilespmem:s21], [sflag:$0x3] =	stream.indirect.gather [hbm4b:s3+s16], $0x20, s8, s16, $0xb8;
	[tilespmem:$0xA200] =	vst v63  }
0x20: {  	s9 =	simm.s32 $0xA8  }
0x21: {  	[tilespmem:s23], [sflag:$0x4] =	stream.indirect.gather [hbm4b:s3+s16], $0x20, s9, s16, $0xb8;
	[tilespmem:$0xA200] =	vst v63  }
0x22: {  	s7 =	simm.s32 $0xE0  }
0x23: {  	[tilespmem:s25], [sflag:$0x5] =	stream.indirect.gather [hbm4b:s3+s16], $0x20, s7, s16, $0xb8;
	[tilespmem:$0xA200] =	vst v63  }
0x24: {  	s8 =	simm.s32 $0x118  }
0x25: {  	[tilespmem:s28], [sflag:$0x6] =	stream.indirect.gather [hbm4b:s3+s16], $0x20, s8, s16, $0xb8;
	[tilespmem:$0xA200] =	vst v63  }
0x26: {  	s9 =	simm.s32 $0x150  }
0x27: {  	[tilespmem:s30], [sflag:$0x7] =	stream.indirect.gather [hbm4b:s3+s16], $0x20, s9, s16, $0xb8;
	[tilespmem:$0xA200] =	vst v63  }
0x28: {  	s7 =	simm.s32 $0x188  }
0x29: {  	[tilespmem:s1], [sflag:$0x8] =	stream.indirect.gather [hbm4b:s3+s16], $0x20, s7, s16, $0xb8;
	[tilespmem:$0xA200] =	vst v63  }
0x2a: {  	_ =	swait.ge [sflag:s0], $0x640  }
0x2b: {  	[sflag:s0] =	ssyncset.done $0x0  }
0x2c: {  	[sflag:s0] =	ssyncadd.s32 $0xFFFFF9C0  }
0x2d: {  	[hbm4b:s14+s18] =	stream.strided.scatter [tilespmem:s17], [sflag:$0x9], $0x640, s20, s18, $0x38;
	[tilespmem:$0xA200] =	vst v63  }
0x2e: {  	_ =	swait.ge [sflag:s15], $0x640  }
0x2f: {  	[sflag:s15] =	ssyncset.done $0x0  }
0x30: {  	s8 =	simm.s32 $0x1C0;
	[sflag:s15] =	ssyncadd.s32 $0xFFFFF9C0  }
0x31: {  	[tilespmem:s17], [sflag:$0x1] =	stream.indirect.gather [hbm4b:s3+s16], $0x20, s8, s16, $0xb8;
	[tilespmem:$0xA200] =	vst v63  }
0x32: {  	_ =	swait.ge [sflag:s22], $0x640  }
0x33: {  	[sflag:s22] =	ssyncset.done $0x0  }
0x34: {  	s9 =	sadd.s32 $0x380, s14;
	[sflag:s22] =	ssyncadd.s32 $0xFFFFF9C0  }
0x35: {  	[hbm4b:s9+s18] =	stream.strided.scatter [tilespmem:s19], [sflag:$0x9], $0x640, s20, s18, $0x38;
	[tilespmem:$0xA200] =	vst v63  }
0x36: {  	_ =	swait.ge [sflag:s15], $0x640  }
0x37: {  	[sflag:s15] =	ssyncset.done $0x0  }
0x38: {  	s7 =	simm.s32 $0x1F8;
	[sflag:s15] =	ssyncadd.s32 $0xFFFFF9C0  }
0x39: {  	[tilespmem:s19], [sflag:$0x2] =	stream.indirect.gather [hbm4b:s3+s16], $0x20, s7, s16, $0xb8;
	[tilespmem:$0xA200] =	vst v63  }
0x3a: {  	_ =	swait.ge [sflag:s24], $0x640  }
0x3b: {  	[sflag:s24] =	ssyncset.done $0x0  }
0x3c: {  	s8 =	sadd.s32 $0x700, s14;
	[sflag:s24] =	ssyncadd.s32 $0xFFFFF9C0  }
0x3d: {  	[hbm4b:s8+s18] =	stream.strided.scatter [tilespmem:s21], [sflag:$0x9], $0x640, s20, s18, $0x38;
	[tilespmem:$0xA200] =	vst v63  }
0x3e: {  	_ =	swait.ge [sflag:s15], $0x640  }
0x3f: {  	[sflag:s15] =	ssyncset.done $0x0  }
0x40: {  	s9 =	simm.s32 $0x230;
	[sflag:s15] =	ssyncadd.s32 $0xFFFFF9C0  }
0x41: {  	[tilespmem:s21], [sflag:$0x3] =	stream.indirect.gather [hbm4b:s3+s16], $0x20, s9, s16, $0xb8;
	[tilespmem:$0xA200] =	vst v63  }
0x42: {  	_ =	swait.ge [sflag:s26], $0x640  }
0x43: {  	[sflag:s26] =	ssyncset.done $0x0  }
0x44: {  	s7 =	sadd.s32 $0xA80, s14;
	[sflag:s26] =	ssyncadd.s32 $0xFFFFF9C0  }
0x45: {  	[hbm4b:s7+s18] =	stream.strided.scatter [tilespmem:s23], [sflag:$0x9], $0x640, s20, s18, $0x38;
	[tilespmem:$0xA200] =	vst v63  }
0x46: {  	_ =	swait.ge [sflag:s15], $0x640  }
0x47: {  	[sflag:s15] =	ssyncset.done $0x0  }
0x48: {  	s8 =	simm.s32 $0x268;
	[sflag:s15] =	ssyncadd.s32 $0xFFFFF9C0  }
0x49: {  	[tilespmem:s23], [sflag:$0x4] =	stream.indirect.gather [hbm4b:s3+s16], $0x20, s8, s16, $0xb8;
	[tilespmem:$0xA200] =	vst v63  }
0x4a: {  	_ =	swait.ge [sflag:s29], $0x640  }
0x4b: {  	[sflag:s29] =	ssyncset.done $0x0  }
0x4c: {  	s9 =	sadd.s32 $0xE00, s14;
	[sflag:s29] =	ssyncadd.s32 $0xFFFFF9C0  }
0x4d: {  	[hbm4b:s9+s18] =	stream.strided.scatter [tilespmem:s25], [sflag:$0x9], $0x640, s20, s18, $0x38;
	[tilespmem:$0xA200] =	vst v63  }
0x4e: {  	_ =	swait.ge [sflag:s15], $0x640  }
0x4f: {  	[sflag:s15] =	ssyncset.done $0x0  }
0x50: {  	s7 =	simm.s32 $0x2A0;
	[sflag:s15] =	ssyncadd.s32 $0xFFFFF9C0  }
0x51: {  	[tilespmem:s25], [sflag:$0x5] =	stream.indirect.gather [hbm4b:s3+s16], $0x20, s7, s16, $0xb8;
	[tilespmem:$0xA200] =	vst v63  }
0x52: {  	_ =	swait.ge [sflag:s31], $0x640  }
0x53: {  	[sflag:s31] =	ssyncset.done $0x0  }
0x54: {  	s8 =	sadd.s32 $0x1180, s14;
	[sflag:s31] =	ssyncadd.s32 $0xFFFFF9C0  }
0x55: {  	[hbm4b:s8+s18] =	stream.strided.scatter [tilespmem:s28], [sflag:$0x9], $0x640, s20, s18, $0x38;
	[tilespmem:$0xA200] =	vst v63  }
0x56: {  	_ =	swait.ge [sflag:s15], $0x640  }
0x57: {  	[sflag:s15] =	ssyncset.done $0x0  }
0x58: {  	s9 =	simm.s32 $0x2D8;
	[sflag:s15] =	ssyncadd.s32 $0xFFFFF9C0  }
0x59: {  	[tilespmem:s28], [sflag:$0x6] =	stream.indirect.gather [hbm4b:s3+s16], $0x20, s9, s16, $0xb8;
	[tilespmem:$0xA200] =	vst v63  }
0x5a: {  	_ =	swait.ge [sflag:s2], $0x640  }
0x5b: {  	[sflag:s2] =	ssyncset.done $0x0  }
0x5c: {  	s7 =	sadd.s32 $0x1500, s14;
	[sflag:s2] =	ssyncadd.s32 $0xFFFFF9C0  }
0x5d: {  	[hbm4b:s7+s18] =	stream.strided.scatter [tilespmem:s30], [sflag:$0x9], $0x640, s20, s18, $0x38;
	[tilespmem:$0xA200] =	vst v63  }
0x5e: {  	_ =	swait.ge [sflag:s15], $0x640  }
0x5f: {  	[sflag:s15] =	ssyncset.done $0x0  }
0x60: {  	s8 =	simm.s32 $0x310;
	[sflag:s15] =	ssyncadd.s32 $0xFFFFF9C0  }
0x61: {  	[tilespmem:s30], [sflag:$0x7] =	stream.indirect.gather [hbm4b:s3+s16], $0x20, s8, s16, $0xb8;
	[tilespmem:$0xA200] =	vst v63  }
0x62: {  	_ =	swait.ge [sflag:s4], $0x640  }
0x63: {  	[sflag:s4] =	ssyncset.done $0x0  }
0x64: {  	s9 =	sadd.s32 $0x1880, s14;
	[sflag:s4] =	ssyncadd.s32 $0xFFFFF9C0  }
0x65: {  	[hbm4b:s9+s18] =	stream.strided.scatter [tilespmem:s1], [sflag:$0x9], $0x640, s20, s18, $0x38;
	[tilespmem:$0xA200] =	vst v63  }
0x66: {  	_ =	swait.ge [sflag:s15], $0x640  }
0x67: {  	s6 =	simm.s32 $0x700;
	[sflag:s15] =	ssyncset.done $0x0  }
0x68: {  	s7 =	sadd.s32 $0x1C00, s14;
	s8 =	simm.s32 $0x348;
	[sflag:s15] =	ssyncadd.s32 $0xFFFFF9C0  }
.LBB2_2:
0x69: {  	[tilespmem:s1], [sflag:$0x8] =	stream.indirect.gather [hbm4b:s3+s16], $0x20, s8, s16, $0xb8;
	[tilespmem:$0xA200] =	vst v63  }
0x6a: {  	s8 =	smov.u32 s6  }
0x6b: {  	p0 =	sne.s32 s6, $0x1B200;
	s6 =	sadd.s32 $0x700, s6;
	_ =	swait.ge [sflag:s0], $0x640  }
0x6c: {  	[sflag:s0] =	ssyncset.done $0x0  }
0x6d: {  	[sflag:s0] =	ssyncadd.s32 $0xFFFFF9C0  }
0x6e: {  	[hbm4b:s7+s18] =	stream.strided.scatter [tilespmem:s17], [sflag:$0x9], $0x640, s20, s18, $0x38;
	[tilespmem:$0xA200] =	vst v63  }
0x6f: {  	_ =	swait.ge [sflag:s15], $0x640  }
0x70: {  	s8 =	sshra.s32 s8, $0x2;
	[sflag:s15] =	ssyncset.done $0x0  }
0x71: {  	s9 =	sadd.s32 $0x1C0, s8;
	[sflag:s15] =	ssyncadd.s32 $0xFFFFF9C0  }
0x72: {  	[tilespmem:s17], [sflag:$0x1] =	stream.indirect.gather [hbm4b:s3+s16], $0x20, s9, s16, $0xb8;
	[tilespmem:$0xA200] =	vst v63  }
0x73: {  	_ =	swait.ge [sflag:s22], $0x640  }
0x74: {  	[sflag:s22] =	ssyncset.done $0x0  }
0x75: {  	s9 =	sadd.s32 $0x380, s7;
	[sflag:s22] =	ssyncadd.s32 $0xFFFFF9C0  }
0x76: {  	[hbm4b:s9+s18] =	stream.strided.scatter [tilespmem:s19], [sflag:$0x9], $0x640, s20, s18, $0x38;
	[tilespmem:$0xA200] =	vst v63  }
0x77: {  	_ =	swait.ge [sflag:s15], $0x640  }
0x78: {  	[sflag:s15] =	ssyncset.done $0x0  }
0x79: {  	s9 =	sadd.s32 $0x1F8, s8;
	[sflag:s15] =	ssyncadd.s32 $0xFFFFF9C0  }
0x7a: {  	[tilespmem:s19], [sflag:$0x2] =	stream.indirect.gather [hbm4b:s3+s16], $0x20, s9, s16, $0xb8;
	[tilespmem:$0xA200] =	vst v63  }
0x7b: {  	_ =	swait.ge [sflag:s24], $0x640  }
0x7c: {  	[sflag:s24] =	ssyncset.done $0x0  }
0x7d: {  	s9 =	sadd.s32 $0x700, s7;
	[sflag:s24] =	ssyncadd.s32 $0xFFFFF9C0  }
0x7e: {  	[hbm4b:s9+s18] =	stream.strided.scatter [tilespmem:s21], [sflag:$0x9], $0x640, s20, s18, $0x38;
	[tilespmem:$0xA200] =	vst v63  }
0x7f: {  	_ =	swait.ge [sflag:s15], $0x640  }
0x80: {  	[sflag:s15] =	ssyncset.done $0x0  }
0x81: {  	s9 =	sadd.s32 $0x230, s8;
	[sflag:s15] =	ssyncadd.s32 $0xFFFFF9C0  }
0x82: {  	[tilespmem:s21], [sflag:$0x3] =	stream.indirect.gather [hbm4b:s3+s16], $0x20, s9, s16, $0xb8;
	[tilespmem:$0xA200] =	vst v63  }
0x83: {  	_ =	swait.ge [sflag:s26], $0x640  }
0x84: {  	[sflag:s26] =	ssyncset.done $0x0  }
0x85: {  	s9 =	sadd.s32 $0xA80, s7;
	[sflag:s26] =	ssyncadd.s32 $0xFFFFF9C0  }
0x86: {  	[hbm4b:s9+s18] =	stream.strided.scatter [tilespmem:s23], [sflag:$0x9], $0x640, s20, s18, $0x38;
	[tilespmem:$0xA200] =	vst v63  }
0x87: {  	_ =	swait.ge [sflag:s15], $0x640  }
0x88: {  	[sflag:s15] =	ssyncset.done $0x0  }
0x89: {  	s9 =	sadd.s32 $0x268, s8;
	[sflag:s15] =	ssyncadd.s32 $0xFFFFF9C0  }
0x8a: {  	[tilespmem:s23], [sflag:$0x4] =	stream.indirect.gather [hbm4b:s3+s16], $0x20, s9, s16, $0xb8;
	[tilespmem:$0xA200] =	vst v63  }
0x8b: {  	_ =	swait.ge [sflag:s29], $0x640  }
0x8c: {  	[sflag:s29] =	ssyncset.done $0x0  }
0x8d: {  	s9 =	sadd.s32 $0xE00, s7;
	[sflag:s29] =	ssyncadd.s32 $0xFFFFF9C0  }
0x8e: {  	[hbm4b:s9+s18] =	stream.strided.scatter [tilespmem:s25], [sflag:$0x9], $0x640, s20, s18, $0x38;
	[tilespmem:$0xA200] =	vst v63  }
0x8f: {  	_ =	swait.ge [sflag:s15], $0x640  }
0x90: {  	[sflag:s15] =	ssyncset.done $0x0  }
0x91: {  	s9 =	sadd.s32 $0x2A0, s8;
	[sflag:s15] =	ssyncadd.s32 $0xFFFFF9C0  }
0x92: {  	[tilespmem:s25], [sflag:$0x5] =	stream.indirect.gather [hbm4b:s3+s16], $0x20, s9, s16, $0xb8;
	[tilespmem:$0xA200] =	vst v63  }
0x93: {  	_ =	swait.ge [sflag:s31], $0x640  }
0x94: {  	[sflag:s31] =	ssyncset.done $0x0  }
0x95: {  	s9 =	sadd.s32 $0x1180, s7;
	[sflag:s31] =	ssyncadd.s32 $0xFFFFF9C0  }
0x96: {  	[hbm4b:s9+s18] =	stream.strided.scatter [tilespmem:s28], [sflag:$0x9], $0x640, s20, s18, $0x38;
	[tilespmem:$0xA200] =	vst v63  }
0x97: {  	_ =	swait.ge [sflag:s15], $0x640  }
0x98: {  	[sflag:s15] =	ssyncset.done $0x0  }
0x99: {  	s9 =	sadd.s32 $0x2D8, s8;
	[sflag:s15] =	ssyncadd.s32 $0xFFFFF9C0  }
0x9a: {  	[tilespmem:s28], [sflag:$0x6] =	stream.indirect.gather [hbm4b:s3+s16], $0x20, s9, s16, $0xb8;
	[tilespmem:$0xA200] =	vst v63  }
0x9b: {  	_ =	swait.ge [sflag:s2], $0x640  }
0x9c: {  	[sflag:s2] =	ssyncset.done $0x0  }
0x9d: {  	s9 =	sadd.s32 $0x1500, s7;
	[sflag:s2] =	ssyncadd.s32 $0xFFFFF9C0  }
0x9e: {  	[hbm4b:s9+s18] =	stream.strided.scatter [tilespmem:s30], [sflag:$0x9], $0x640, s20, s18, $0x38;
	[tilespmem:$0xA200] =	vst v63  }
0x9f: {  	_ =	swait.ge [sflag:s15], $0x640  }
0xa0: {  	[sflag:s15] =	ssyncset.done $0x0  }
0xa1: {  	s9 =	sadd.s32 $0x310, s8;
	[sflag:s15] =	ssyncadd.s32 $0xFFFFF9C0  }
0xa2: {  	[tilespmem:s30], [sflag:$0x7] =	stream.indirect.gather [hbm4b:s3+s16], $0x20, s9, s16, $0xb8;
	[tilespmem:$0xA200] =	vst v63  }
0xa3: {  	_ =	swait.ge [sflag:s4], $0x640  }
0xa4: {  	[sflag:s4] =	ssyncset.done $0x0  }
.Ltmp0:
0xa5: {  	s9 =	sadd.s32 $0x1880, s7;
	[sflag:s4] =	ssyncadd.s32 $0xFFFFF9C0;
	(pc) =	sbr.rel @p0 .LBB2_2-.Ltmp0, $4  }
0xa6: {  	[hbm4b:s9+s18] =	stream.strided.scatter [tilespmem:s1], [sflag:$0x9], $0x640, s20, s18, $0x38;
	[tilespmem:$0xA200] =	vst v63  }
0xa7: {  	_ =	swait.ge [sflag:s15], $0x640  }
0xa8: {  	[sflag:s15] =	ssyncset.done $0x0  }
0xa9: {  	s8 =	sadd.s32 $0x348, s8;
	s7 =	sadd.s32 $0x1C00, s7;
	[sflag:s15] =	ssyncadd.s32 $0xFFFFF9C0  }
0xaa: {  	[tilespmem:s1], [sflag:$0x8] =	stream.indirect.gather [hbm4b:s3+s16], $0x20, s8, s16, $0xb8;
	[tilespmem:$0xA200] =	vst v63  }
0xab: {  	_ =	swait.ge [sflag:s0], $0x640  }
0xac: {  	[sflag:s0] =	ssyncset.done $0x0  }
0xad: {  	s6 =	rddreg [dreg:$0x4];
	[sflag:s0] =	ssyncadd.s32 $0xFFFFF9C0  }
0xae: {  	[hbm4b:s6+s18] =	stream.strided.scatter [tilespmem:s17], [sflag:$0x9], $0x640, s20, s18, $0x38;
	[tilespmem:$0xA200] =	vst v63  }
0xaf: {  	_ =	swait.ge [sflag:s15], $0x640  }
0xb0: {  	[sflag:s15] =	ssyncset.done $0x0  }
0xb1: {  	[sflag:s15] =	ssyncadd.s32 $0xFFFFF9C0  }
0xb2: {  	_ =	swait.ge [sflag:s22], $0x640  }
0xb3: {  	[sflag:s22] =	ssyncset.done $0x0  }
0xb4: {  	s9 =	rddreg [dreg:$0x5];
	[sflag:s22] =	ssyncadd.s32 $0xFFFFF9C0  }
0xb5: {  	[hbm4b:s9+s18] =	stream.strided.scatter [tilespmem:s19], [sflag:$0x9], $0x640, s20, s18, $0x38;
	[tilespmem:$0xA200] =	vst v63  }
0xb6: {  	_ =	swait.ge [sflag:s15], $0x640  }
0xb7: {  	[sflag:s15] =	ssyncset.done $0x0  }
0xb8: {  	[sflag:s15] =	ssyncadd.s32 $0xFFFFF9C0  }
0xb9: {  	_ =	swait.ge [sflag:s24], $0x640  }
0xba: {  	[sflag:s24] =	ssyncset.done $0x0  }
0xbb: {  	s7 =	rddreg [dreg:$0x6];
	[sflag:s24] =	ssyncadd.s32 $0xFFFFF9C0  }
0xbc: {  	[hbm4b:s7+s18] =	stream.strided.scatter [tilespmem:s21], [sflag:$0x9], $0x640, s20, s18, $0x38;
	[tilespmem:$0xA200] =	vst v63  }
0xbd: {  	_ =	swait.ge [sflag:s15], $0x640  }
0xbe: {  	[sflag:s15] =	ssyncset.done $0x0  }
0xbf: {  	[sflag:s15] =	ssyncadd.s32 $0xFFFFF9C0  }
0xc0: {  	_ =	swait.ge [sflag:s26], $0x640  }
0xc1: {  	[sflag:s26] =	ssyncset.done $0x0  }
0xc2: {  	s8 =	rddreg [dreg:$0x7];
	[sflag:s26] =	ssyncadd.s32 $0xFFFFF9C0  }
0xc3: {  	[hbm4b:s8+s18] =	stream.strided.scatter [tilespmem:s23], [sflag:$0x9], $0x640, s20, s18, $0x38;
	[tilespmem:$0xA200] =	vst v63  }
0xc4: {  	_ =	swait.ge [sflag:s15], $0x640  }
0xc5: {  	[sflag:s15] =	ssyncset.done $0x0  }
0xc6: {  	[sflag:s15] =	ssyncadd.s32 $0xFFFFF9C0  }
0xc7: {  	_ =	swait.ge [sflag:s29], $0x640  }
0xc8: {  	[sflag:s29] =	ssyncset.done $0x0  }
0xc9: {  	s9 =	rddreg [dreg:$0x8];
	[sflag:s29] =	ssyncadd.s32 $0xFFFFF9C0  }
0xca: {  	[hbm4b:s9+s18] =	stream.strided.scatter [tilespmem:s25], [sflag:$0x9], $0x640, s20, s18, $0x38;
	[tilespmem:$0xA200] =	vst v63  }
0xcb: {  	_ =	swait.ge [sflag:s15], $0x640  }
0xcc: {  	[sflag:s15] =	ssyncset.done $0x0  }
0xcd: {  	[sflag:s15] =	ssyncadd.s32 $0xFFFFF9C0  }
0xce: {  	_ =	swait.ge [sflag:s31], $0x640  }
0xcf: {  	[sflag:s31] =	ssyncset.done $0x0  }
0xd0: {  	[sflag:s31] =	ssyncadd.s32 $0xFFFFF9C0  }
0xd1: {  	[hbm4b:s10+s18] =	stream.strided.scatter [tilespmem:s28], [sflag:$0x9], $0x640, s20, s18, $0x38;
	[tilespmem:$0xA200] =	vst v63  }
0xd2: {  	_ =	swait.ge [sflag:s15], $0x640  }
0xd3: {  	[sflag:s15] =	ssyncset.done $0x0  }
0xd4: {  	[sflag:s15] =	ssyncadd.s32 $0xFFFFF9C0  }
0xd5: {  	_ =	swait.ge [sflag:s2], $0x640  }
0xd6: {  	[sflag:s2] =	ssyncset.done $0x0  }
0xd7: {  	[sflag:s2] =	ssyncadd.s32 $0xFFFFF9C0  }
0xd8: {  	[hbm4b:s11+s18] =	stream.strided.scatter [tilespmem:s30], [sflag:$0x9], $0x640, s20, s18, $0x38;
	[tilespmem:$0xA200] =	vst v63  }
0xd9: {  	_ =	swait.ge [sflag:s15], $0x640  }
0xda: {  	[sflag:s15] =	ssyncset.done $0x0  }
0xdb: {  	[sflag:s15] =	ssyncadd.s32 $0xFFFFF9C0  }
0xdc: {  	s5 =	sadd.s32 $0x1, s5;
	_ =	swait.ge [sflag:s4], $0x640  }
0xdd: {  	p0 =	sne.s32 s5, s13;
	[sflag:s4] =	ssyncset.done $0x0  }
.Ltmp1:
0xde: {  	[sflag:s4] =	ssyncadd.s32 $0xFFFFF9C0;
	(pc) =	sbr.rel @p0 .LBB2_1-.Ltmp1, $4  }
0xdf: {  	[hbm4b:s12+s18] =	stream.strided.scatter [tilespmem:s1], [sflag:$0x9], $0x640, s20, s18, $0x38;
	[tilespmem:$0xA200] =	vst v63  }
0xe0: {  	_ =	swait.ge [sflag:s15], $0x640  }
0xe1: {  	[sflag:s15] =	ssyncset.done $0x0  }
0xe2: {  	[sflag:s15] =	ssyncadd.s32 $0xFFFFF9C0  }
0xe3: {  	_ =	sfence.sel $0x180000  }
0xe4: {  	[bflag:$0x0] =	sbarrier.arrive $0xFFFF  }
0xe5: {  	_ =	strace $0x90000047  }
0xe6: {  	s0 =	stileid.u32;
	[bflag:$0x2] =	sbarrier.arrive $0xFFFF  }
0xe7: {  	p0 =	sne.s32 s0, $0x0;
	s0 =	rddreg [dreg:$0x2]  }
0xe8: {  	s0 =	sadd.s32 @!p0 $0x100000, s0  }
0xe9: {  	[sflag:s0] =	ssyncadd.tile.s32 @!p0 $0x1;
	_ =	shalt  }
.Lfunc_end2:
_tile_overlayer_lowered:
.L_overlay_start_2:
0xea: {  	(tag) =	ssettag $0x2  }
0xeb: {  	s0 =	rddreg [dreg:$0x0];
	s2 =	stileid.u32  }
0xec: {  	s1 =	rddreg [dreg:$0x1];
	p0 =	sne.s32 s2, $0x0  }
0xed: {  	s3 =	rddreg [dreg:$0x2];
	[bflag:$0x3] =	sbarrier.arrive $0xFFFF;
	s2 =	simm.s32 @!p0 $0x1C09  }
0xee: {  	[timem:s3], [sflag:s2] =	dma.local @!p0 [hbm:s0], s1  }
0xef: {  	s0 =	simm.s32 @!p0 $0x9  }
0xf0: {  	_ =	swait.ge @!p0 [sflag:s0], s1  }
0xf1: {  	s1 =	ssub.s32 @!p0 $0x0, s1;
	[sflag:s0] =	ssyncset.done @!p0 $0x0  }
0xf2: {  	[sflag:s0] =	ssyncadd.s32 @!p0 s1  }
0xf3: {  	[bflag:$0x3] =	sbarrier.arrive $0xFFFF  }
0xf4: {  	_ =	shalt  }

// kernel: sparse-core-data-format-call.cloned.1.call-start
scs
called_computation_lowered:
.L_overlay_start_0:
0x0: {  	s2 =	sld [smem:$0x3FD9]  }
0x1: {  	s3 =	sld [smem:$0x3FFE];
	_ =	sdelay $0x1  }
0x2: {  	s1 =	srdreg.scid  }
0x3: {  	s0 =	sand.u32 $0x1, s1  }
0x4: {  	s18 =	sshll.u32 s0, $0xA;
	s2 =	sadd.s32 s3, s2  }
0x5: {  	s2 =	sadd.s32 s2, s18  }
0x6: {  	[smem:$0x3FC6] =	sst s2  }
0x7: {  	_ = 	snop  }
0x8: {  	s2 =	sld [smem:$0x3FD0];
	(tm) =	ssettm $0x1  }
0x9: {  	s19 =	sld [smem:$0x3FFB];
	_ =	sdelay $0x3  }
0xa: {  	_ =	strace s19  }
0xb: {  	s3 =	sld [smem:$0x3FFC];
	_ =	sdelay $0x3  }
0xc: {  	_ =	strace s3  }
0xd: {  	s3 =	sld [smem:$0x3FFD];
	_ =	sdelay $0x3  }
0xe: {  	_ =	strace s3  }
0xf: {  	_ =	strace $0x8FFFFFFF  }
0x10: {  	s20 =	sld [smem:$0x3FDB];
	_ =	sdelay $0x1  }
0x11: {  	s4 =	simm.s32 $_scs_section_size  }
0x12: {  	s5 =	simm.s32 $_size__tile_overlayer_lowered;
	s6 =	simm.s32 $_tile_overlayer_lowered  }
0x13: {  	s23 =	simm.s32 $0x1BFF;
	s22 =	sshll.u32 s6, $0x1;
	s3 =	sadd.s32 s4, s20  }
0x14: {  	s7 =	simm.s32 $0x0;
	s21 =	sshll.u32 s5, $0x1;
	s5 =	sadd.s32 s22, s3  }
0x15: {  	[timem:s7], [sflag:s23] =	dma.local [hbm:s5], s21  }
0x16: {  	_ =	swait.ge [sflag:s23], s21  }
0x17: {  	s4 =	ssub.s32 $0x0, s21;
	[sflag:s23] =	ssyncset.done $0x0  }
0x18: {  	[sflag:s23] =	ssyncadd.s32 s4;
	_ =	sdelay $0x1  }
0x19: {  	s24 =	simm.s32 $0x1B8B  }
0x1a: {  	_ =	swait.ge [sflag:s24], $0x1  }
0x1b: {  	[sflag:s24] =	ssyncset.done $0x0  }
0x1c: {  	s26 =	simm.s32 $0x1B8E;
	s25 =	sld [smem:$0x3FFE];
	[sflag:s24] =	ssyncadd.s32 $0xFFFFFFFF  }
0x1d: {  	s27 =	simm.s32 $execute0_lowered;
	[smem:$0x3FD2] =	sst s26  }
0x1e: {  	s5 =	sshll.u32 s27, $0x1;
	_ =	strace $0x80000049;
	[dreg:$0x1] =	wrdreg $0xFFFFFFFF  }
0x1f: {  	s28 =	simm.s32 $_size_execute0_lowered;
	s3 =	sadd.s32 s3, s5;
	[dreg:$0x0] =	wrdreg $0x0  }
0x20: {  	s5 =	sshll.u32 s28, $0x1;
	[dreg:$0x2] =	wrdreg s3  }
0x21: {  	[dreg:$0x3] =	wrdreg s5  }
0x22: {  	[dreg:$0x4] =	wrdreg $0xC0  }
0x23: {  	_ =	task [dreg:s7], $0x5FFFF  }
0x24: {  	[dreg:$0x1] =	wrdreg $0xFFFFFFFF  }
0x25: {  	[dreg:$0x0] =	wrdreg $0x60  }
0x26: {  	[dreg:$0x2] =	wrdreg s25  }
0x27: {  	[dreg:$0x3] =	wrdreg s2  }
0x28: {  	[dreg:$0x4] =	wrdreg $0x9  }
0x29: {  	_ =	task.clear_ibuf [dreg:s7], $0x5FFFF;
	_ =	strace $0x90000049  }
0x2a: {  	s29 =	simm.s32 $0x9;
	_ =	strace $0x8000004B  }
0x2b: {  	_ =	swait.ge [sflag:s29], $0x1  }
0x2c: {  	[sflag:s29] =	ssyncadd.s32 $0xFFFFFFFF  }
0x2d: {  	_ =	strace $0x9000004B  }
0x2e: {  	_ =	sfence  }
0x2f: {  	s30 =	sld [smem:$0x0];
	_ =	sdelay $0x2  }
0x30: {  	s31 =	sshll.u32 s1, $0xD;
	s1 =	sshrl.u32 s1, $0x2  }
0x31: {  	s3 =	sand.u32 $0x4000, s31;
	s1 =	sadd.s32 s1, s30  }
0x32: {  	s0 =	sor.u32 s3, s0;
	s1 =	sshll.u32 s1, $0x11  }
0x33: {  	s0 =	sor.u32 s1, s0  }
0x34: {  	s0 =	sadd.s32 $0x8F2B, s0  }
0x35: {  	[sflag:s0] =	ssyncadd.remote.s32 $0x1  }
0x36: {  	_ =	sfence.sel $0xFFFF  }
0x37: {  	[dreg:$0x0] =	wrdreg $0xFFFFFFFF;
	(pc) =	sbr.abs _section_cstart, $3  }
0x38: {  	[dreg:$0x1] =	wrdreg $0xFFFFFFFF  }
0x39: {  	_ =	task.clear_ibuf [dreg:s7], $0x2FFFF;
	_ =	strace $0x9FFFFFFF  }
0x3a: {  	(tm) =	ssettm $0x7FFFFFFF  }
0x3b: {  	_ =	shalt  }
tec
execute0_lowered:
.L_overlay_start_1:
0x0: {  	(tag) =	ssettag $0x1  }
0x1: {  	s0 =	srdreg.scid  }
0x2: {  	s1 =	sshll.u32 s0, $0x4  }
0x3: {  	s0 =	stileid.u32;
	s1 =	sand.u32 $0x10, s1  }
0x4: {  	s1 =	sor.u32 s0, s1  }
0x5: {  	s6 =	rddreg [dreg:$0x0];
	s4 =	simm.s32 $0x1;
	s2 =	sshll.u32 s1, $0x7  }
0x6: {  	s7 =	simm.s32 $0x2;
	s12 =	simm.s32 $0x0;
	s1 =	ssub.s32 $0x4000, s2  }
0x7: {  	s8 =	simm.s32 $0x20000;
	s13 =	simm.s32 $0x0;
	s3 =	sand.u32 $0xF80, s1  }
0x8: {  	s9 =	simm.s32 $0x0;
	s5 =	sshrl.u32 s1, $0xC;
	p0 =	sne.s32 s3, $0x0  }
.Ltmp0:
0x9: {  	s1 =	rddreg [dreg:$0x2];
	s4 =	simm.s32 @!p0 $0x0;
	(pc) =	sbr.rel .LBB1_1-.Ltmp0, $4  }
0xa: {  	s11 =	simm.s32 $0x0;
	s3 =	rddreg [dreg:$0x1];
	s5 =	sadd.s32 s4, s5  }
0xb: {  	_ =	strace $0x8000004A;
	s4 =	simm.s32 $0x1;
	s5 =	smul.u32 $0x32, s5  }
0xc: {  	s6 =	sadd.s32 $0xA00, s6;
	s10 =	smov.u32 s2;
	[sflag:s4] =	ssyncpa.u1 $0x0  }
0xd: {  	p0 =	por $0x0, $0x0;
	[sflag:s7] =	ssyncpa.u1 $0x0;
	s7 =	sor.u32 $0x1, s5  }
.LBB1_4:
0xe: {  	s16 =	sshll.u32 s13, $0x3;
	s17 =	sand.u32 $0x78, s13  }
0xf: {  	s30 =	sand.u32 $0xF800, s13;
	s12 =	sshll.u32 s12, $0x10;
	s16 =	sand.u32 $0x3C00, s16  }
0x10: {  	s31 =	sand.u32 $0x7, s13;
	s16 =	sor.u32 s17, s16;
	s17 =	sadd.s32 s3, s30  }
0x11: {  	s13 =	sshll.u32 s31, $0x12;
	s16 =	sshrl.u32 s16, $0x3;
	s12 =	sadd.s32 s12, s17  }
0x12: {  	[tilespmem:s15+$0x0 ss:$0x81] =	vst.msk $0xffff, v0;
	s13 =	sor.u32 $0x400, s13;
	s12 =	sadd.s32 s16, s12  }
0x13: {  	[hbm4b:s12+s13] =	stream.strided.scatter [tilespmem:s14], [sflag:$0x2], $0x1000, s8, s13, $0x20;
	[tilespmem:$0x4040] =	vst v63  }
.LBB1_5:
0x14: {  	s14 =	sadd.s32 $0x1, s9  }
0x15: {  	s12 =	sadd.s32 $0x1000, s10;
	s16 =	smov.u32 s10;
	p2 =	sgt.s32 s14, $0x31  }
0x16: {  	s16 =	smov.u32 @p2 s12  }
0x17: {  	s14 =	simm.s32 @p2 $0x0;
	p2 =	sgt.s32 s16, $0x3FFF  }
0x18: {  	s16 =	smov.u32 @p2 s2;
	p2 =	sne.s32 s11, s7  }
.Ltmp1:
0x19: {  	p1 =	slt.u32 s11, $0x2;
	(pc) =	sbr.rel @!p2 .LBB1_6-.Ltmp1, $4  }
0x1a: {  	s15 =	simm.s32 @!p1 $0x2  }
0x1b: {  	s13 =	smov.u32 s10;
	p0 =	por !p0, !p0;
	_ =	swait.ge @!p1 [sflag:s15], $0x1000  }
0x1c: {  	s12 =	smov.u32 s9;
	[sflag:s15] =	ssyncset.done @!p1 $0x0;
	s9 =	smov.u32 s14  }
0x1d: {  	s11 =	sadd.s32 $0x1, s11;
	[sflag:s15] =	ssyncadd.s32 @!p1 $0xFFFFF000;
	s10 =	smov.u32 s16  }
.LBB1_1:
0x1e: {  	p1 =	sge.u32 s11, s5  }
0x1f: {  	s14 =	sand.u32 @!p1 $0x1FFFFFF, s9  }
0x20: {  	s15 =	smulhi.u32 @!p1 $0x4924925, s14;
	_ =	sdelay $0x1  }
0x21: {  	s15 =	smul.u32 @!p1 $0x38, s15  }
0x22: {  	s16 =	sxor.u32 @!p1 $0xFFFFFFFF, s11;
	s17 =	smul.u32 @!p1 $0x380, s10  }
0x23: {  	s31 =	sadd.s32 $0xFFFFFFFF, s11;
	s16 =	sshll.u32 @!p1 s16, $0xC;
	s14 =	ssub.s32 @!p1 s14, s15  }
0x24: {  	s15 =	sand.u32 @!p1 $0x1000, s16;
	s16 =	sadd.s32 @!p1 s6, s17;
	s14 =	sshll.u32 @!p1 s14, $0x4  }
0x25: {  	s17 =	simm.s32 @!p1 $0x1C00;
	s14 =	sadd.s32 @!p1 s14, s16;
	s16 =	simm.s32 @!p1 $0x20  }
0x26: {  	[tilespmem:s15], [sflag:$0x1] =	stream.strided.gather @!p1 [hbm4b:s14+s16], $0x1000, s17, s16, $0x38;
	[tilespmem:$0x4040] =	vst v63  }
0x27: {  	p1 =	sge.u32 s31, s5  }
.Ltmp2:
0x28: {  	_ = 	snop;
	(pc) =	sbr.rel @p1 .LBB1_5-.Ltmp2, $1  }
0x29: {  	_ =	sdelay $0x3  }
0x2a: {  	s14 =	simm.s32 $0x1  }
0x2b: {  	_ =	swait.ge [sflag:s4], $0x1000;
	s14 =	simm.s32 @!p0 $0x0  }
0x2c: {  	[sflag:s4] =	ssyncset.done $0x0;
	s15 =	sshll.u32 s14, $0xC  }
0x2d: {  	[sflag:s4] =	ssyncadd.s32 $0xFFFFF000;
	s18 =	sor.u32 $0x10, s15  }
0x2e: {  	s14 =	smul.u32 $0x4080, s14;
	v1 =	vld [tilespmem:s18+$0x0]  }
0x2f: {  	s30 =	sand.u32 $0x1, s11;
	v0 =	vld [tilespmem:s18+$0xFFFFFFF0]  }
0x30: {  	s15 =	smul.u32 $0x4080, s30;
	s14 =	sshrl.u32 s14, $0x2  }
0x31: {  	s16 =	sor.u32 $0x2000, s14  }
0x32: {  	s31 =	sshrl.u32 s15, $0x2;
	s15 =	sadd.s32 $0x0, s16  }
0x33: {  	s17 =	simm.s32 $0x4;
	s18 =	sadd.s32 $0x20, s18;
	s14 =	sor.u32 $0x2000, s31;
	[tilespmem:s15+$0x810 ss:$0x81] =	vst.msk $0xffff, v1  }
.LBB1_3:
0x34: {  	v1 =	vld [tilespmem:s18+$0x0];
	p1 =	sne.s32 s17, $0x1FC;
	[tilespmem:s15+$0x0 ss:$0x81] =	vst.msk $0xffff, v0;
	s15 =	smov.u32 s17;
	s17 =	sadd.s32 $0x4, s17  }
.Ltmp3:
0x35: {  	v0 =	vld [tilespmem:s18+$0xFFFFFFF0];
	(pc) =	sbr.rel @p1 .LBB1_3-.Ltmp3, $4  }
0x36: {  	_ = 	snop  }
0x37: {  	s15 =	sshra.s32 s15, $0x2  }
0x38: {  	s15 =	sadd.s32 s15, s16  }
0x39: {  	s18 =	sadd.s32 $0x20, s18;
	[tilespmem:s15+$0x810 ss:$0x81] =	vst.msk $0xffff, v1  }
.Ltmp4:
0x3a: {  	_ = 	snop;
	(pc) =	sbr.rel .LBB1_4-.Ltmp4, $1  }
0x3b: {  	_ =	sdelay $0x3  }
.LBB1_6:
0x3c: {  	_ =	sfence.sel $0x180000  }
0x3d: {  	s2 =	simm.s32 $0x1;
	[bflag:$0x0] =	sbarrier.arrive $0xFFFF  }
0x3e: {  	s31 =	simm.s32 $0x2;
	[sflag:s2] =	ssyncpa.u1 $0x1  }
0x3f: {  	[sflag:s31] =	ssyncpa.u1 $0x1  }
0x40: {  	p0 =	sne.s32 s0, $0x0;
	_ =	strace $0x9000004A  }
0x41: {  	s0 =	sadd.s32 @!p0 $0x100000, s1;
	[bflag:$0x2] =	sbarrier.arrive $0xFFFF  }
0x42: {  	[sflag:s0] =	ssyncadd.tile.s32 @!p0 $0x1;
	_ =	shalt  }
.Lfunc_end1:
_tile_overlayer_lowered:
.L_overlay_start_2:
0x43: {  	(tag) =	ssettag $0x2  }
0x44: {  	s0 =	rddreg [dreg:$0x0];
	s2 =	stileid.u32  }
0x45: {  	s1 =	rddreg [dreg:$0x1];
	p0 =	sne.s32 s2, $0x0  }
0x46: {  	s3 =	rddreg [dreg:$0x2];
	[bflag:$0x3] =	sbarrier.arrive $0xFFFF;
	s2 =	simm.s32 @!p0 $0x1C01  }
0x47: {  	[timem:s3], [sflag:s2] =	dma.local @!p0 [hbm:s0], s1  }
0x48: {  	s0 =	simm.s32 @!p0 $0x1  }
0x49: {  	_ =	swait.ge @!p0 [sflag:s0], s1  }
0x4a: {  	s1 =	ssub.s32 @!p0 $0x0, s1;
	[sflag:s0] =	ssyncset.done @!p0 $0x0  }
0x4b: {  	[sflag:s0] =	ssyncadd.s32 @!p0 s1  }
0x4c: {  	[bflag:$0x3] =	sbarrier.arrive $0xFFFF  }
0x4d: {  	_ =	shalt  }

</sc_bundles>
